<compile_context>
chip_gen: v7x
topology: tpu7x:2x2x1
jax: 0.10.2.dev20260603
libtpu: 0.0.44.dev20260713+nightly
codegen_flags: <defaults>
</compile_context>

<pallas_src>
import functools
import inspect

import jax
import jax.numpy as jnp
from jax import lax
from jax.experimental import pallas as pl
from jax.experimental.pallas import tpu as pltpu
from jax.experimental.pallas import tpu_sc as plsc

N = 10000
D = 128
E = 320000
NC, NS = 2, 16
NW = NC * NS
CHUNK = 120
NBUF = 3
NIDX = 6
CHUNKS_PER_TILE = 84
PER_TILE = CHUNKS_PER_TILE * CHUNK
E_PAD = PER_TILE * NW
N_ACC = 10112
ROWS_PER_SUB = N_ACC // NS

_BM = 1000


def _ln_relu_body(x_ref, g_ref, b_ref, o_ref):
    x = x_ref[...]
    mu = jnp.mean(x, axis=1, keepdims=True)
    var = jnp.mean((x - mu) ** 2, axis=1, keepdims=True)
    h = (x - mu) * lax.rsqrt(var + 1e-5) * g_ref[...] + b_ref[...]
    o_ref[...] = jnp.maximum(h, 0.0)


def _ln_relu(x, g, b):
    return pl.pallas_call(
        _ln_relu_body,
        out_shape=jax.ShapeDtypeStruct((N, D), jnp.float32),
        grid=(N // _BM,),
        in_specs=[
            pl.BlockSpec((_BM, D), lambda i: (i, 0)),
            pl.BlockSpec((1, D), lambda i: (0, 0)),
            pl.BlockSpec((1, D), lambda i: (0, 0)),
        ],
        out_specs=pl.BlockSpec((_BM, D), lambda i: (i, 0)),
    )(x, g, b)


def _make_mesh():
    kw = {}
    params = inspect.signature(plsc.VectorSubcoreMesh).parameters
    if "num_cores" in params:
        kw["num_cores"] = NC
    if "num_subcores" in params:
        kw["num_subcores"] = NS
    return plsc.VectorSubcoreMesh(core_axis_name="c", subcore_axis_name="s", **kw)


def _sc_agg(h, src, dst, zrows, zdeg):
    @functools.partial(
        pl.kernel,
        out_type=[
            jax.ShapeDtypeStruct((NC, N_ACC, D), jnp.float32),
            jax.ShapeDtypeStruct((NC * N_ACC,), jnp.float32),
        ],
        mesh=_make_mesh(),
        scratch_types=(
            [pltpu.VMEM((CHUNK,), jnp.int32)] * NIDX
            + [pltpu.VMEM((CHUNK,), jnp.int32)] * NIDX
            + [pltpu.VMEM((CHUNK, D), jnp.float32)] * NBUF
            + [
                pltpu.VMEM((CHUNK,), jnp.float32),
                pltpu.VMEM_SHARED((N_ACC, D), jnp.float32),
                pltpu.VMEM_SHARED((N_ACC,), jnp.float32),
            ]
            + [pltpu.SemaphoreType.DMA] * (NIDX + 2 * NBUF)
        ),
    )
    def k(h_hbm, src_hbm, dst_hbm, zr_hbm, zd_hbm, out_hbm, deg_hbm, *refs):
        sidx = refs[:NIDX]
        didx = refs[NIDX:2 * NIDX]
        rows = refs[2 * NIDX:2 * NIDX + NBUF]
        ones = refs[2 * NIDX + NBUF]
        acc = refs[2 * NIDX + NBUF + 1]
        accd = refs[2 * NIDX + NBUF + 2]
        sembase = 2 * NIDX + NBUF + 3
        isem = refs[sembase:sembase + NIDX]
        gsem = refs[sembase + NIDX:sembase + NIDX + NBUF]
        ssem = refs[sembase + NIDX + NBUF:sembase + NIDX + 2 * NBUF]
        cid = lax.axis_index("c")
        sid = lax.axis_index("s")
        for i in range(0, CHUNK - 15, 16):
            ones[pl.ds(i, 16)] = jnp.full((16,), 1.0, jnp.float32)
        if CHUNK % 16:
            ones[pl.ds(CHUNK - 16, 16)] = jnp.full((16,), 1.0, jnp.float32)
        zoff = sid * ROWS_PER_SUB
        pltpu.sync_copy(zr_hbm, acc.at[pl.ds(zoff, ROWS_PER_SUB)])

        @pl.when(sid == 0)
        def _():
            pltpu.sync_copy(zd_hbm, accd)

        plsc.subcore_barrier()

        base = cid * (NS * PER_TILE) + sid * PER_TILE

        def idx_load(c, j, sync):
            s_slice = src_hbm.at[pl.ds(base + c * CHUNK, CHUNK)]
            d_slice = dst_hbm.at[pl.ds(base + c * CHUNK, CHUNK)]
            if sync:
                pltpu.sync_copy(s_slice, sidx[j])
                pltpu.sync_copy(d_slice, didx[j])
            else:
                pltpu.async_copy(s_slice, sidx[j], isem[j])
                pltpu.async_copy(d_slice, didx[j], isem[j])

        def idx_wait(j):
            pltpu.make_async_copy(src_hbm.at[pl.ds(0, CHUNK)], sidx[j],
                                  isem[j]).wait()
            pltpu.make_async_copy(dst_hbm.at[pl.ds(0, CHUNK)], didx[j],
                                  isem[j]).wait()

        for j in range(NBUF - 1):
            idx_load(j, j, sync=True)
        for j in range(NBUF - 1, NIDX):
            idx_load(j, j, sync=False)
        for b in range(NBUF - 1):
            pltpu.async_copy(h_hbm.at[sidx[b]], rows[b], gsem[b])

        @pl.loop(0, CHUNKS_PER_TILE, step=NIDX)
        def _(c0):
            for j in range(NIDX):
                c = c0 + j
                b = j % NBUF
                bp = (j - 1) % NBUF
                pltpu.make_async_copy(h_hbm.at[pl.ds(0, CHUNK)], rows[b],
                                      gsem[b]).wait()
                pltpu.async_copy(rows[b], acc.at[didx[j]], ssem[b], add=True)
                pltpu.sync_copy(ones, accd.at[didx[j]], add=True)

                @pl.when(c + NBUF - 1 < CHUNKS_PER_TILE)
                def _():
                    @pl.when(c > 0)
                    def _():
                        pltpu.make_async_copy(rows[bp], acc.at[didx[j]],
                                              ssem[bp]).wait()
                    idx_wait((j + NBUF - 1) % NIDX)
                    pltpu.async_copy(h_hbm.at[sidx[(j + NBUF - 1) % NIDX]],
                                     rows[bp], gsem[bp])

                    @pl.when((c > 0) & (c - 1 + NIDX < CHUNKS_PER_TILE))
                    def _():
                        idx_load(c - 1 + NIDX, (j - 1) % NIDX, sync=False)

        for t in range(NBUF):
            b = (CHUNKS_PER_TILE - 1 - t) % NBUF
            pltpu.make_async_copy(rows[b], acc.at[didx[0]], ssem[b]).wait()

        plsc.subcore_barrier()
        pltpu.sync_copy(
            acc.at[pl.ds(zoff, ROWS_PER_SUB)],
            out_hbm.at[cid, pl.ds(zoff, ROWS_PER_SUB)],
        )
        @pl.when(sid == 0)
        def _():
            pltpu.sync_copy(accd, deg_hbm.at[pl.ds(cid * N_ACC, N_ACC)])

    return k(h, src, dst, zrows, zdeg)


def _combine_body(p_ref, d_ref, h_ref, wl_ref, bl_ref, wr_ref, o_ref):
    p = p_ref[...]
    a = p[0] + p[1]
    d = d_ref[...]
    deg = jnp.maximum(d[0] + d[1], 1.0)
    mean = a / deg
    dn = (((1,), (1,)), ((), ()))
    o_ref[...] = (
        lax.dot_general(mean, wl_ref[...], dn, precision=lax.Precision.HIGHEST,
                        preferred_element_type=jnp.float32)
        + lax.dot_general(h_ref[...], wr_ref[...], dn,
                          precision=lax.Precision.HIGHEST,
                          preferred_element_type=jnp.float32)
        + bl_ref[...]
    )


def _combine(parts, degs, h, W_l, b_l, W_r):
    return pl.pallas_call(
        _combine_body,
        out_shape=jax.ShapeDtypeStruct((N, D), jnp.float32),
        grid=(N // _BM,),
        in_specs=[
            pl.BlockSpec((NC, _BM, D), lambda i: (0, i, 0)),
            pl.BlockSpec((NC, _BM, 1), lambda i: (0, i, 0)),
            pl.BlockSpec((_BM, D), lambda i: (i, 0)),
            pl.BlockSpec((D, D), lambda i: (0, 0)),
            pl.BlockSpec((1, D), lambda i: (0, 0)),
            pl.BlockSpec((D, D), lambda i: (0, 0)),
        ],
        out_specs=pl.BlockSpec((_BM, D), lambda i: (i, 0)),
    )(parts, degs, h, W_l, b_l, W_r)


def kernel(x, edge_index, ln_gamma, ln_beta, W_l, b_l, W_r):
    src = edge_index[0].astype(jnp.int32)
    dst = edge_index[1].astype(jnp.int32)
    pad = E_PAD - E
    src = jnp.concatenate([src, jnp.zeros((pad,), jnp.int32)])
    dst = jnp.concatenate([dst, jnp.full((pad,), N, jnp.int32)])

    h = _ln_relu(x, ln_gamma.reshape(1, D), ln_beta.reshape(1, D))
    zrows = jnp.zeros((ROWS_PER_SUB, D), jnp.float32)
    zdeg = jnp.zeros((N_ACC,), jnp.float32)
    parts, degs = _sc_agg(h, src, dst, zrows, zdeg)
    return _combine(parts, degs.reshape(NC, N_ACC, 1), h,
                    W_l, b_l.reshape(1, D), W_r)

# --- scband reference (transcript-rebuilt; emitter-appended) ---
"""Pipeline reference for scband-rev-gnnlayer-48747878810305 (READ-ONLY COPY).

The authoritative reference and input builder live on the scoring server;
editing this copy changes nothing except your own understanding.
"""

import jax, jax.numpy as jnp
import numpy as np

N_NODES = 10000
N_EDGES = 320000
D_IN = 128
D_OUT = 128


def setup_inputs(seed: int = 0) -> dict:
    key = jax.random.key(seed)
    k_x, k_e, k_wl, k_bl, k_wr = jax.random.split(key, 5)
    x = jax.random.normal(k_x, (N_NODES, D_IN), dtype=jnp.float32)
    edge_index = jax.random.randint(k_e, (2, N_EDGES), 0, N_NODES, dtype=jnp.int64)
    # LayerNorm params (elementwise_affine=True)
    ln_gamma = jnp.ones((D_IN,), dtype=jnp.float32)
    ln_beta = jnp.zeros((D_IN,), dtype=jnp.float32)
    # SAGEConv params: lin_l (applied to aggregated neighbors, has bias), lin_r (root, no bias)
    bound = 1.0 / np.sqrt(D_IN)
    W_l = jax.random.uniform(k_wl, (D_OUT, D_IN), minval=-bound, maxval=bound, dtype=jnp.float32)
    b_l = jax.random.uniform(k_bl, (D_OUT,), minval=-bound, maxval=bound, dtype=jnp.float32)
    W_r = jax.random.uniform(k_wr, (D_OUT, D_IN), minval=-bound, maxval=bound, dtype=jnp.float32)
    return {"x": x, "edge_index": edge_index, "ln_gamma": ln_gamma, "ln_beta": ln_beta, "W_l": W_l, "b_l": b_l, "W_r": W_r}


def reference(x, edge_index, ln_gamma, ln_beta, W_l, b_l, W_r):
    # LayerNorm over last dim, eps=1e-5 (torch default)
    mu = jnp.mean(x, axis=-1, keepdims=True)
    var = jnp.mean((x - mu) ** 2, axis=-1, keepdims=True)
    h = (x - mu) / jnp.sqrt(var + 1e-5) * ln_gamma + ln_beta
    # ReLU
    h = jax.nn.relu(h)
    # SAGEConv with mean aggregation: messages flow src -> dst
    src = edge_index[0]
    dst = edge_index[1]
    msg = jnp.take(h, src, axis=0)  # gather source node features [E, D_IN]
    agg_sum = jax.ops.segment_sum(msg, dst, num_segments=N_NODES)
    deg = jax.ops.segment_sum(jnp.ones((N_EDGES,), dtype=jnp.float32), dst, num_segments=N_NODES)
    agg_mean = agg_sum / jnp.clip(deg, 1.0, None)[:, None]
    out = agg_mean @ W_l.T + b_l + h @ W_r.T
    return out

if __name__ == "__main__":
    import jax
    _d = setup_inputs()
    print(jax.jit(kernel)(*tuple(_d.values())))

</pallas_src>

<mosaic_0001>
#map = affine_map<(d0, d1) -> (0, 0)>
#map1 = affine_map<(d0, d1) -> (0)>
#map2 = affine_map<(d0, d1) -> (0, 0, 0)>
module attributes {stable_mosaic.version = 14 : i64} {
  func.func @k(%arg0: i32, %arg1: i32, %arg2: memref<10000x128xf32, #tpu.memory_space<hbm>>, %arg3: memref<322560xi32, #tpu.memory_space<hbm>>, %arg4: memref<322560xi32, #tpu.memory_space<hbm>>, %arg5: memref<632x128xf32, #tpu.memory_space<hbm>>, %arg6: memref<10112xf32, #tpu.memory_space<hbm>>, %arg7: memref<2x10112x128xf32, #tpu.memory_space<hbm>>, %arg8: memref<20224xf32, #tpu.memory_space<hbm>>, %arg9: memref<120xi32, #tpu.memory_space<vmem>>, %arg10: memref<120xi32, #tpu.memory_space<vmem>>, %arg11: memref<120xi32, #tpu.memory_space<vmem>>, %arg12: memref<120xi32, #tpu.memory_space<vmem>>, %arg13: memref<120xi32, #tpu.memory_space<vmem>>, %arg14: memref<120xi32, #tpu.memory_space<vmem>>, %arg15: memref<120xi32, #tpu.memory_space<vmem>>, %arg16: memref<120xi32, #tpu.memory_space<vmem>>, %arg17: memref<120xi32, #tpu.memory_space<vmem>>, %arg18: memref<120xi32, #tpu.memory_space<vmem>>, %arg19: memref<120xi32, #tpu.memory_space<vmem>>, %arg20: memref<120xi32, #tpu.memory_space<vmem>>, %arg21: memref<120x128xf32, #tpu.memory_space<vmem>>, %arg22: memref<120x128xf32, #tpu.memory_space<vmem>>, %arg23: memref<120x128xf32, #tpu.memory_space<vmem>>, %arg24: memref<120xf32, #tpu.memory_space<vmem>>, %arg25: memref<10112x128xf32, #tpu.memory_space<vmem_shared>>, %arg26: memref<10112xf32, #tpu.memory_space<vmem_shared>>, %arg27: memref<!tpu.dma_semaphore, #tpu.memory_space<semaphore_mem>>, %arg28: memref<!tpu.dma_semaphore, #tpu.memory_space<semaphore_mem>>, %arg29: memref<!tpu.dma_semaphore, #tpu.memory_space<semaphore_mem>>, %arg30: memref<!tpu.dma_semaphore, #tpu.memory_space<semaphore_mem>>, %arg31: memref<!tpu.dma_semaphore, #tpu.memory_space<semaphore_mem>>, %arg32: memref<!tpu.dma_semaphore, #tpu.memory_space<semaphore_mem>>, %arg33: memref<!tpu.dma_semaphore, #tpu.memory_space<semaphore_mem>>, %arg34: memref<!tpu.dma_semaphore, #tpu.memory_space<semaphore_mem>>, %arg35: memref<!tpu.dma_semaphore, #tpu.memory_space<semaphore_mem>>, %arg36: memref<!tpu.dma_semaphore, #tpu.memory_space<semaphore_mem>>, %arg37: memref<!tpu.dma_semaphore, #tpu.memory_space<semaphore_mem>>, %arg38: memref<!tpu.dma_semaphore, #tpu.memory_space<semaphore_mem>>) attributes {dimension_semantics = [#tpu.dimension_semantics<core_parallel>, #tpu.dimension_semantics<subcore_parallel>], iteration_bounds = array<i64: 2, 16>, scalar_prefetch = 0 : i64, scratch_operands = 30 : i64, tpu.core_type = #tpu.core_type<sc_vector_subcore>, window_params = [{transform_indices = #map}, {transform_indices = #map1}, {transform_indices = #map1}, {transform_indices = #map}, {transform_indices = #map1}, {transform_indices = #map2}, {transform_indices = #map1}]} {
    %broadcast_in_dim3A = arith.constant 1.000000e+00 : f32
    %broadcast_in_dim3A_0 = vector.broadcast %broadcast_in_dim3A : f32 to vector<16xf32>
    %swap3A = arith.constant 0 : index
    %swap3A_1 = tpu.vector_load %arg24[%swap3A] {strides = array<i32>} : memref<120xf32, #tpu.memory_space<vmem>>, vector<16xf32>,
    %swap3A_2 = vector.shape_cast %swap3A_1 : vector<16xf32> to vector<16xf32>
    %swap3A_3 = vector.shape_cast %broadcast_in_dim3A_0 : vector<16xf32> to vector<16xf32>
    tpu.vector_store %arg24[%swap3A], %swap3A_3 {strides = array<i32>} : memref<120xf32, #tpu.memory_space<vmem>>, vector<16xf32>,
    %broadcast_in_dim3A_4 = arith.constant 1.000000e+00 : f32
    %broadcast_in_dim3A_5 = vector.broadcast %broadcast_in_dim3A_4 : f32 to vector<16xf32>
    %swap3A_6 = arith.constant 16 : index
    %swap3A_7 = tpu.vector_load %arg24[%swap3A_6] {strides = array<i32>} : memref<120xf32, #tpu.memory_space<vmem>>, vector<16xf32>,
    %swap3A_8 = vector.shape_cast %swap3A_7 : vector<16xf32> to vector<16xf32>
    %swap3A_9 = vector.shape_cast %broadcast_in_dim3A_5 : vector<16xf32> to vector<16xf32>
    tpu.vector_store %arg24[%swap3A_6], %swap3A_9 {strides = array<i32>} : memref<120xf32, #tpu.memory_space<vmem>>, vector<16xf32>,
    %broadcast_in_dim3A_10 = arith.constant 1.000000e+00 : f32
    %broadcast_in_dim3A_11 = vector.broadcast %broadcast_in_dim3A_10 : f32 to vector<16xf32>
    %swap3A_12 = arith.constant 32 : index
    %swap3A_13 = tpu.vector_load %arg24[%swap3A_12] {strides = array<i32>} : memref<120xf32, #tpu.memory_space<vmem>>, vector<16xf32>,
    %swap3A_14 = vector.shape_cast %swap3A_13 : vector<16xf32> to vector<16xf32>
    %swap3A_15 = vector.shape_cast %broadcast_in_dim3A_11 : vector<16xf32> to vector<16xf32>
    tpu.vector_store %arg24[%swap3A_12], %swap3A_15 {strides = array<i32>} : memref<120xf32, #tpu.memory_space<vmem>>, vector<16xf32>,
    %broadcast_in_dim3A_16 = arith.constant 1.000000e+00 : f32
    %broadcast_in_dim3A_17 = vector.broadcast %broadcast_in_dim3A_16 : f32 to vector<16xf32>
    %swap3A_18 = arith.constant 48 : index
    %swap3A_19 = tpu.vector_load %arg24[%swap3A_18] {strides = array<i32>} : memref<120xf32, #tpu.memory_space<vmem>>, vector<16xf32>,
    %swap3A_20 = vector.shape_cast %swap3A_19 : vector<16xf32> to vector<16xf32>
    %swap3A_21 = vector.shape_cast %broadcast_in_dim3A_17 : vector<16xf32> to vector<16xf32>
    tpu.vector_store %arg24[%swap3A_18], %swap3A_21 {strides = array<i32>} : memref<120xf32, #tpu.memory_space<vmem>>, vector<16xf32>,
    %broadcast_in_dim3A_22 = arith.constant 1.000000e+00 : f32
    %broadcast_in_dim3A_23 = vector.broadcast %broadcast_in_dim3A_22 : f32 to vector<16xf32>
    %swap3A_24 = arith.constant 64 : index
    %swap3A_25 = tpu.vector_load %arg24[%swap3A_24] {strides = array<i32>} : memref<120xf32, #tpu.memory_space<vmem>>, vector<16xf32>,
    %swap3A_26 = vector.shape_cast %swap3A_25 : vector<16xf32> to vector<16xf32>
    %swap3A_27 = vector.shape_cast %broadcast_in_dim3A_23 : vector<16xf32> to vector<16xf32>
    tpu.vector_store %arg24[%swap3A_24], %swap3A_27 {strides = array<i32>} : memref<120xf32, #tpu.memory_space<vmem>>, vector<16xf32>,
    %broadcast_in_dim3A_28 = arith.constant 1.000000e+00 : f32
    %broadcast_in_dim3A_29 = vector.broadcast %broadcast_in_dim3A_28 : f32 to vector<16xf32>
    %swap3A_30 = arith.constant 80 : index
    %swap3A_31 = tpu.vector_load %arg24[%swap3A_30] {strides = array<i32>} : memref<120xf32, #tpu.memory_space<vmem>>, vector<16xf32>,
    %swap3A_32 = vector.shape_cast %swap3A_31 : vector<16xf32> to vector<16xf32>
    %swap3A_33 = vector.shape_cast %broadcast_in_dim3A_29 : vector<16xf32> to vector<16xf32>
    tpu.vector_store %arg24[%swap3A_30], %swap3A_33 {strides = array<i32>} : memref<120xf32, #tpu.memory_space<vmem>>, vector<16xf32>,
    %broadcast_in_dim3A_34 = arith.constant 1.000000e+00 : f32
    %broadcast_in_dim3A_35 = vector.broadcast %broadcast_in_dim3A_34 : f32 to vector<16xf32>
    %swap3A_36 = arith.constant 96 : index
    %swap3A_37 = tpu.vector_load %arg24[%swap3A_36] {strides = array<i32>} : memref<120xf32, #tpu.memory_space<vmem>>, vector<16xf32>,
    %swap3A_38 = vector.shape_cast %swap3A_37 : vector<16xf32> to vector<16xf32>
    %swap3A_39 = vector.shape_cast %broadcast_in_dim3A_35 : vector<16xf32> to vector<16xf32>
    tpu.vector_store %arg24[%swap3A_36], %swap3A_39 {strides = array<i32>} : memref<120xf32, #tpu.memory_space<vmem>>, vector<16xf32>,
    %broadcast_in_dim3A_40 = arith.constant 1.000000e+00 : f32
    %broadcast_in_dim3A_41 = vector.broadcast %broadcast_in_dim3A_40 : f32 to vector<16xf32>
    %swap3A_42 = arith.constant 104 : index
    %swap3A_43 = tpu.vector_load %arg24[%swap3A_42] {strides = array<i32>} : memref<120xf32, #tpu.memory_space<vmem>>, vector<16xf32>,
    %swap3A_44 = vector.shape_cast %swap3A_43 : vector<16xf32> to vector<16xf32>
    %swap3A_45 = vector.shape_cast %broadcast_in_dim3A_41 : vector<16xf32> to vector<16xf32>
    tpu.vector_store %arg24[%swap3A_42], %swap3A_45 {strides = array<i32>} : memref<120xf32, #tpu.memory_space<vmem>>, vector<16xf32>,
    %mul3A = arith.constant 632 : i32
    %mul3A_46 = arith.muli %arg1, %mul3A : i32
    "tpu.region"() ({
      %run_scoped3A = tpu.sem_alloc : memref<!tpu.dma_semaphore, #tpu.memory_space<semaphore_mem>>
      %dma_start3A_116 = arith.constant 0 : i32
      %dma_start3A_117 = tpu.memref_slice %arg25[%mul3A_46, %dma_start3A_116] : memref<10112x128xf32, #tpu.memory_space<vmem_shared>> -> memref<632x128xf32, #tpu.memory_space<vmem_shared>>
      tpu.enqueue_dma source(%arg5 : memref<632x128xf32, #tpu.memory_space<hbm>>) target(%dma_start3A_117 : memref<632x128xf32, #tpu.memory_space<vmem_shared>>) target_semaphore(%run_scoped3A : memref<!tpu.dma_semaphore, #tpu.memory_space<semaphore_mem>>)
      %dma_wait3A_118 = arith.constant 0 : i32
      %dma_wait3A_119 = tpu.memref_slice %arg25[%mul3A_46, %dma_wait3A_118] : memref<10112x128xf32, #tpu.memory_space<vmem_shared>> -> memref<632x128xf32, #tpu.memory_space<vmem_shared>>
      tpu.wait_dma2 semaphore(%run_scoped3A : memref<!tpu.dma_semaphore, #tpu.memory_space<semaphore_mem>>) src(%arg5 : memref<632x128xf32, #tpu.memory_space<hbm>>) dst(%dma_wait3A_119 : memref<632x128xf32, #tpu.memory_space<vmem_shared>>)
      tpu.yield
    }) : () -> ()
    %eq3A = arith.constant 0 : i32
    %eq3A_47 = arith.cmpi eq, %arg1, %eq3A : i32
    %convert_element_type3A = arith.extui %eq3A_47 : i1 to i32
    %cond3A = arith.constant 0 : i32
    %cond3A_48 = arith.cmpi ne, %convert_element_type3A, %cond3A : i32
    scf.if %cond3A_48 {
      "tpu.region"() ({
        %run_scoped3A = tpu.sem_alloc : memref<!tpu.dma_semaphore, #tpu.memory_space<semaphore_mem>>
        tpu.enqueue_dma source(%arg6 : memref<10112xf32, #tpu.memory_space<hbm>>) target(%arg26 : memref<10112xf32, #tpu.memory_space<vmem_shared>>) target_semaphore(%run_scoped3A : memref<!tpu.dma_semaphore, #tpu.memory_space<semaphore_mem>>)
        tpu.wait_dma2 semaphore(%run_scoped3A : memref<!tpu.dma_semaphore, #tpu.memory_space<semaphore_mem>>) src(%arg6 : memref<10112xf32, #tpu.memory_space<hbm>>) dst(%arg26 : memref<10112xf32, #tpu.memory_space<vmem_shared>>)
        tpu.yield
      }) : () -> ()
    } else {
    }
    %barrier3A = arith.constant 0 : index
    tpu.barrier barrier_id(%barrier3A)
    %mul3A_49 = arith.constant 161280 : i32
    %mul3A_50 = arith.muli %arg0, %mul3A_49 : i32
    %mul3A_51 = arith.constant 10080 : i32
    %mul3A_52 = arith.muli %arg1, %mul3A_51 : i32
    %add3A = arith.addi %mul3A_50, %mul3A_52 : i32
    %add3A_53 = arith.constant 0 : i32
    %add3A_54 = arith.addi %add3A, %add3A_53 : i32
    %add3A_55 = arith.constant 0 : i32
    %add3A_56 = arith.addi %add3A, %add3A_55 : i32
    "tpu.region"() ({
      %run_scoped3A = tpu.sem_alloc : memref<!tpu.dma_semaphore, #tpu.memory_space<semaphore_mem>>
      %dma_start3A_116 = tpu.memref_slice %arg3[%add3A_54] : memref<322560xi32, #tpu.memory_space<hbm>> -> memref<120xi32, #tpu.memory_space<hbm>>
      %dma_start3A_117 = tpu.memref_slice %arg3[%add3A_54] : memref<322560xi32, #tpu.memory_space<hbm>> -> memref<120xi32, #tpu.memory_space<hbm>>
      tpu.enqueue_dma source(%dma_start3A_117 : memref<120xi32, #tpu.memory_space<hbm>>) target(%arg9 : memref<120xi32, #tpu.memory_space<vmem>>) target_semaphore(%run_scoped3A : memref<!tpu.dma_semaphore, #tpu.memory_space<semaphore_mem>>)
      %dma_wait3A_118 = tpu.memref_slice %arg3[%add3A_54] : memref<322560xi32, #tpu.memory_space<hbm>> -> memref<120xi32, #tpu.memory_space<hbm>>
      %dma_wait3A_119 = tpu.memref_slice %arg3[%add3A_54] : memref<322560xi32, #tpu.memory_space<hbm>> -> memref<120xi32, #tpu.memory_space<hbm>>
      tpu.wait_dma2 semaphore(%run_scoped3A : memref<!tpu.dma_semaphore, #tpu.memory_space<semaphore_mem>>) src(%dma_wait3A_119 : memref<120xi32, #tpu.memory_space<hbm>>) dst(%arg9 : memref<120xi32, #tpu.memory_space<vmem>>)
      tpu.yield
    }) : () -> ()
    "tpu.region"() ({
      %run_scoped3A = tpu.sem_alloc : memref<!tpu.dma_semaphore, #tpu.memory_space<semaphore_mem>>
      %dma_start3A_116 = tpu.memref_slice %arg4[%add3A_56] : memref<322560xi32, #tpu.memory_space<hbm>> -> memref<120xi32, #tpu.memory_space<hbm>>
      %dma_start3A_117 = tpu.memref_slice %arg4[%add3A_56] : memref<322560xi32, #tpu.memory_space<hbm>> -> memref<120xi32, #tpu.memory_space<hbm>>
      tpu.enqueue_dma source(%dma_start3A_117 : memref<120xi32, #tpu.memory_space<hbm>>) target(%arg15 : memref<120xi32, #tpu.memory_space<vmem>>) target_semaphore(%run_scoped3A : memref<!tpu.dma_semaphore, #tpu.memory_space<semaphore_mem>>)
      %dma_wait3A_118 = tpu.memref_slice %arg4[%add3A_56] : memref<322560xi32, #tpu.memory_space<hbm>> -> memref<120xi32, #tpu.memory_space<hbm>>
      %dma_wait3A_119 = tpu.memref_slice %arg4[%add3A_56] : memref<322560xi32, #tpu.memory_space<hbm>> -> memref<120xi32, #tpu.memory_space<hbm>>
      tpu.wait_dma2 semaphore(%run_scoped3A : memref<!tpu.dma_semaphore, #tpu.memory_space<semaphore_mem>>) src(%dma_wait3A_119 : memref<120xi32, #tpu.memory_space<hbm>>) dst(%arg15 : memref<120xi32, #tpu.memory_space<vmem>>)
      tpu.yield
    }) : () -> ()
    %add3A_57 = arith.constant 120 : i32
    %add3A_58 = arith.addi %add3A, %add3A_57 : i32
    %add3A_59 = arith.constant 120 : i32
    %add3A_60 = arith.addi %add3A, %add3A_59 : i32
    "tpu.region"() ({
      %run_scoped3A = tpu.sem_alloc : memref<!tpu.dma_semaphore, #tpu.memory_space<semaphore_mem>>
      %dma_start3A_116 = tpu.memref_slice %arg3[%add3A_58] : memref<322560xi32, #tpu.memory_space<hbm>> -> memref<120xi32, #tpu.memory_space<hbm>>
      %dma_start3A_117 = tpu.memref_slice %arg3[%add3A_58] : memref<322560xi32, #tpu.memory_space<hbm>> -> memref<120xi32, #tpu.memory_space<hbm>>
      tpu.enqueue_dma source(%dma_start3A_117 : memref<120xi32, #tpu.memory_space<hbm>>) target(%arg10 : memref<120xi32, #tpu.memory_space<vmem>>) target_semaphore(%run_scoped3A : memref<!tpu.dma_semaphore, #tpu.memory_space<semaphore_mem>>)
      %dma_wait3A_118 = tpu.memref_slice %arg3[%add3A_58] : memref<322560xi32, #tpu.memory_space<hbm>> -> memref<120xi32, #tpu.memory_space<hbm>>
      %dma_wait3A_119 = tpu.memref_slice %arg3[%add3A_58] : memref<322560xi32, #tpu.memory_space<hbm>> -> memref<120xi32, #tpu.memory_space<hbm>>
      tpu.wait_dma2 semaphore(%run_scoped3A : memref<!tpu.dma_semaphore, #tpu.memory_space<semaphore_mem>>) src(%dma_wait3A_119 : memref<120xi32, #tpu.memory_space<hbm>>) dst(%arg10 : memref<120xi32, #tpu.memory_space<vmem>>)
      tpu.yield
    }) : () -> ()
    "tpu.region"() ({
      %run_scoped3A = tpu.sem_alloc : memref<!tpu.dma_semaphore, #tpu.memory_space<semaphore_mem>>
      %dma_start3A_116 = tpu.memref_slice %arg4[%add3A_60] : memref<322560xi32, #tpu.memory_space<hbm>> -> memref<120xi32, #tpu.memory_space<hbm>>
      %dma_start3A_117 = tpu.memref_slice %arg4[%add3A_60] : memref<322560xi32, #tpu.memory_space<hbm>> -> memref<120xi32, #tpu.memory_space<hbm>>
      tpu.enqueue_dma source(%dma_start3A_117 : memref<120xi32, #tpu.memory_space<hbm>>) target(%arg16 : memref<120xi32, #tpu.memory_space<vmem>>) target_semaphore(%run_scoped3A : memref<!tpu.dma_semaphore, #tpu.memory_space<semaphore_mem>>)
      %dma_wait3A_118 = tpu.memref_slice %arg4[%add3A_60] : memref<322560xi32, #tpu.memory_space<hbm>> -> memref<120xi32, #tpu.memory_space<hbm>>
      %dma_wait3A_119 = tpu.memref_slice %arg4[%add3A_60] : memref<322560xi32, #tpu.memory_space<hbm>> -> memref<120xi32, #tpu.memory_space<hbm>>
      tpu.wait_dma2 semaphore(%run_scoped3A : memref<!tpu.dma_semaphore, #tpu.memory_space<semaphore_mem>>) src(%dma_wait3A_119 : memref<120xi32, #tpu.memory_space<hbm>>) dst(%arg16 : memref<120xi32, #tpu.memory_space<vmem>>)
      tpu.yield
    }) : () -> ()
    %add3A_61 = arith.constant 240 : i32
    %add3A_62 = arith.addi %add3A, %add3A_61 : i32
    %add3A_63 = arith.constant 240 : i32
    %add3A_64 = arith.addi %add3A, %add3A_63 : i32
    %dma_start3A = tpu.memref_slice %arg3[%add3A_62] : memref<322560xi32, #tpu.memory_space<hbm>> -> memref<120xi32, #tpu.memory_space<hbm>>
    %dma_start3A_65 = tpu.memref_slice %arg3[%add3A_62] : memref<322560xi32, #tpu.memory_space<hbm>> -> memref<120xi32, #tpu.memory_space<hbm>>
    tpu.enqueue_dma source(%dma_start3A_65 : memref<120xi32, #tpu.memory_space<hbm>>) target(%arg11 : memref<120xi32, #tpu.memory_space<vmem>>) target_semaphore(%arg29 : memref<!tpu.dma_semaphore, #tpu.memory_space<semaphore_mem>>)
    %dma_start3A_66 = tpu.memref_slice %arg4[%add3A_64] : memref<322560xi32, #tpu.memory_space<hbm>> -> memref<120xi32, #tpu.memory_space<hbm>>
    %dma_start3A_67 = tpu.memref_slice %arg4[%add3A_64] : memref<322560xi32, #tpu.memory_space<hbm>> -> memref<120xi32, #tpu.memory_space<hbm>>
    tpu.enqueue_dma source(%dma_start3A_67 : memref<120xi32, #tpu.memory_space<hbm>>) target(%arg17 : memref<120xi32, #tpu.memory_space<vmem>>) target_semaphore(%arg29 : memref<!tpu.dma_semaphore, #tpu.memory_space<semaphore_mem>>)
    %add3A_68 = arith.constant 360 : i32
    %add3A_69 = arith.addi %add3A, %add3A_68 : i32
    %add3A_70 = arith.constant 360 : i32
    %add3A_71 = arith.addi %add3A, %add3A_70 : i32
    %dma_start3A_72 = tpu.memref_slice %arg3[%add3A_69] : memref<322560xi32, #tpu.memory_space<hbm>> -> memref<120xi32, #tpu.memory_space<hbm>>
    %dma_start3A_73 = tpu.memref_slice %arg3[%add3A_69] : memref<322560xi32, #tpu.memory_space<hbm>> -> memref<120xi32, #tpu.memory_space<hbm>>
    tpu.enqueue_dma source(%dma_start3A_73 : memref<120xi32, #tpu.memory_space<hbm>>) target(%arg12 : memref<120xi32, #tpu.memory_space<vmem>>) target_semaphore(%arg30 : memref<!tpu.dma_semaphore, #tpu.memory_space<semaphore_mem>>)
    %dma_start3A_74 = tpu.memref_slice %arg4[%add3A_71] : memref<322560xi32, #tpu.memory_space<hbm>> -> memref<120xi32, #tpu.memory_space<hbm>>
    %dma_start3A_75 = tpu.memref_slice %arg4[%add3A_71] : memref<322560xi32, #tpu.memory_space<hbm>> -> memref<120xi32, #tpu.memory_space<hbm>>
    tpu.enqueue_dma source(%dma_start3A_75 : memref<120xi32, #tpu.memory_space<hbm>>) target(%arg18 : memref<120xi32, #tpu.memory_space<vmem>>) target_semaphore(%arg30 : memref<!tpu.dma_semaphore, #tpu.memory_space<semaphore_mem>>)
    %add3A_76 = arith.constant 480 : i32
    %add3A_77 = arith.addi %add3A, %add3A_76 : i32
    %add3A_78 = arith.constant 480 : i32
    %add3A_79 = arith.addi %add3A, %add3A_78 : i32
    %dma_start3A_80 = tpu.memref_slice %arg3[%add3A_77] : memref<322560xi32, #tpu.memory_space<hbm>> -> memref<120xi32, #tpu.memory_space<hbm>>
    %dma_start3A_81 = tpu.memref_slice %arg3[%add3A_77] : memref<322560xi32, #tpu.memory_space<hbm>> -> memref<120xi32, #tpu.memory_space<hbm>>
    tpu.enqueue_dma source(%dma_start3A_81 : memref<120xi32, #tpu.memory_space<hbm>>) target(%arg13 : memref<120xi32, #tpu.memory_space<vmem>>) target_semaphore(%arg31 : memref<!tpu.dma_semaphore, #tpu.memory_space<semaphore_mem>>)
    %dma_start3A_82 = tpu.memref_slice %arg4[%add3A_79] : memref<322560xi32, #tpu.memory_space<hbm>> -> memref<120xi32, #tpu.memory_space<hbm>>
    %dma_start3A_83 = tpu.memref_slice %arg4[%add3A_79] : memref<322560xi32, #tpu.memory_space<hbm>> -> memref<120xi32, #tpu.memory_space<hbm>>
    tpu.enqueue_dma source(%dma_start3A_83 : memref<120xi32, #tpu.memory_space<hbm>>) target(%arg19 : memref<120xi32, #tpu.memory_space<vmem>>) target_semaphore(%arg31 : memref<!tpu.dma_semaphore, #tpu.memory_space<semaphore_mem>>)
    %add3A_84 = arith.constant 600 : i32
    %add3A_85 = arith.addi %add3A, %add3A_84 : i32
    %add3A_86 = arith.constant 600 : i32
    %add3A_87 = arith.addi %add3A, %add3A_86 : i32
    %dma_start3A_88 = tpu.memref_slice %arg3[%add3A_85] : memref<322560xi32, #tpu.memory_space<hbm>> -> memref<120xi32, #tpu.memory_space<hbm>>
    %dma_start3A_89 = tpu.memref_slice %arg3[%add3A_85] : memref<322560xi32, #tpu.memory_space<hbm>> -> memref<120xi32, #tpu.memory_space<hbm>>
    tpu.enqueue_dma source(%dma_start3A_89 : memref<120xi32, #tpu.memory_space<hbm>>) target(%arg14 : memref<120xi32, #tpu.memory_space<vmem>>) target_semaphore(%arg32 : memref<!tpu.dma_semaphore, #tpu.memory_space<semaphore_mem>>)
    %dma_start3A_90 = tpu.memref_slice %arg4[%add3A_87] : memref<322560xi32, #tpu.memory_space<hbm>> -> memref<120xi32, #tpu.memory_space<hbm>>
    %dma_start3A_91 = tpu.memref_slice %arg4[%add3A_87] : memref<322560xi32, #tpu.memory_space<hbm>> -> memref<120xi32, #tpu.memory_space<hbm>>
    tpu.enqueue_dma source(%dma_start3A_91 : memref<120xi32, #tpu.memory_space<hbm>>) target(%arg20 : memref<120xi32, #tpu.memory_space<vmem>>) target_semaphore(%arg32 : memref<!tpu.dma_semaphore, #tpu.memory_space<semaphore_mem>>)
    %dma_start3A_92 = arith.constant 0 : i32
    %dma_start3A_93 = arith.constant 0 : i32
    %dma_start3A_94 = tpu.memref_slice %arg2[%dma_start3A_92, %dma_start3A_93] : memref<10000x128xf32, #tpu.memory_space<hbm>> -> memref<10000x128xf32, #tpu.memory_space<hbm>>
    tpu.enqueue_indirect_dma source(%dma_start3A_94 : memref<10000x128xf32, #tpu.memory_space<hbm>>) target(%arg21 : memref<120x128xf32, #tpu.memory_space<vmem>>) offsets(%arg9 : memref<120xi32, #tpu.memory_space<vmem>>) semaphore(%arg33 : memref<!tpu.dma_semaphore, #tpu.memory_space<semaphore_mem>>)
    %dma_start3A_95 = arith.constant 0 : i32
    %dma_start3A_96 = arith.constant 0 : i32
    %dma_start3A_97 = tpu.memref_slice %arg2[%dma_start3A_95, %dma_start3A_96] : memref<10000x128xf32, #tpu.memory_space<hbm>> -> memref<10000x128xf32, #tpu.memory_space<hbm>>
    tpu.enqueue_indirect_dma source(%dma_start3A_97 : memref<10000x128xf32, #tpu.memory_space<hbm>>) target(%arg22 : memref<120x128xf32, #tpu.memory_space<vmem>>) offsets(%arg10 : memref<120xi32, #tpu.memory_space<vmem>>) semaphore(%arg34 : memref<!tpu.dma_semaphore, #tpu.memory_space<semaphore_mem>>)
    %scan3A = arith.constant 0 : i32
    %scan3A_98 = arith.constant 14 : i32
    %scan3A_99 = arith.addi %scan3A, %scan3A_98 : i32
    %scan3A_100 = arith.constant 1 : i32
    scf.for %scan3A_116 = %scan3A to %scan3A_99 step %scan3A_100  : i32 {
      %mul3A_117 = arith.constant 6 : i32
      %mul3A_118 = arith.muli %scan3A_116, %mul3A_117 : i32
      %add3A_119 = arith.constant 0 : i32
      %add3A_120 = arith.addi %add3A_119, %mul3A_118 : i32
      %add3A_121 = arith.constant 0 : i32
      %add3A_122 = arith.addi %add3A_120, %add3A_121 : i32
      %dma_wait3A_123 = arith.constant 0 : i32
      %dma_wait3A_124 = arith.constant 0 : i32
      %dma_wait3A_125 = tpu.memref_slice %arg2[%dma_wait3A_123, %dma_wait3A_124] : memref<10000x128xf32, #tpu.memory_space<hbm>> -> memref<120x128xf32, #tpu.memory_space<hbm>>
      %dma_wait3A_126 = arith.constant 0 : i32
      %dma_wait3A_127 = arith.constant 0 : i32
      %dma_wait3A_128 = tpu.memref_slice %arg2[%dma_wait3A_126, %dma_wait3A_127] : memref<10000x128xf32, #tpu.memory_space<hbm>> -> memref<120x128xf32, #tpu.memory_space<hbm>>
      tpu.wait_dma2 semaphore(%arg33 : memref<!tpu.dma_semaphore, #tpu.memory_space<semaphore_mem>>) src(%dma_wait3A_128 : memref<120x128xf32, #tpu.memory_space<hbm>>) dst(%arg21 : memref<120x128xf32, #tpu.memory_space<vmem>>)
      %dma_start3A_129 = arith.constant 0 : i32
      %dma_start3A_130 = arith.constant 0 : i32
      %dma_start3A_131 = tpu.memref_slice %arg25[%dma_start3A_129, %dma_start3A_130] : memref<10112x128xf32, #tpu.memory_space<vmem_shared>> -> memref<10112x128xf32, #tpu.memory_space<vmem_shared>>
      tpu.enqueue_indirect_dma source(%arg21 : memref<120x128xf32, #tpu.memory_space<vmem>>) target(%dma_start3A_131 : memref<10112x128xf32, #tpu.memory_space<vmem_shared>>) offsets(%arg15 : memref<120xi32, #tpu.memory_space<vmem>>) semaphore(%arg36 : memref<!tpu.dma_semaphore, #tpu.memory_space<semaphore_mem>>) {add = true}
      "tpu.region"() ({
        %run_scoped3A = tpu.sem_alloc : memref<!tpu.dma_semaphore, #tpu.memory_space<semaphore_mem>>
        %dma_start3A_239 = arith.constant 0 : i32
        %dma_start3A_240 = tpu.memref_slice %arg26[%dma_start3A_239] : memref<10112xf32, #tpu.memory_space<vmem_shared>> -> memref<10112xf32, #tpu.memory_space<vmem_shared>>
        tpu.enqueue_indirect_dma source(%arg24 : memref<120xf32, #tpu.memory_space<vmem>>) target(%dma_start3A_240 : memref<10112xf32, #tpu.memory_space<vmem_shared>>) offsets(%arg15 : memref<120xi32, #tpu.memory_space<vmem>>) semaphore(%run_scoped3A : memref<!tpu.dma_semaphore, #tpu.memory_space<semaphore_mem>>) {add = true}
        %dma_wait3A_241 = arith.constant 0 : i32
        %dma_wait3A_242 = tpu.memref_slice %arg26[%dma_wait3A_241] : memref<10112xf32, #tpu.memory_space<vmem_shared>> -> memref<10112xf32, #tpu.memory_space<vmem_shared>>
        tpu.wait_indirect_dma semaphore(%run_scoped3A : memref<!tpu.dma_semaphore, #tpu.memory_space<semaphore_mem>>) src(%arg24 : memref<120xf32, #tpu.memory_space<vmem>>) dst(%dma_wait3A_242 : memref<10112xf32, #tpu.memory_space<vmem_shared>>)
        tpu.yield
      }) : () -> ()
      %add3A_132 = arith.constant 3 : i32
      %add3A_133 = arith.addi %add3A_122, %add3A_132 : i32
      %sub3A = arith.constant 1 : i32
      %sub3A_134 = arith.subi %add3A_133, %sub3A : i32
      %lt3A = arith.constant 84 : i32
      %lt3A_135 = arith.cmpi slt, %sub3A_134, %lt3A : i32
      %convert_element_type3A_136 = arith.extui %lt3A_135 : i1 to i32
      %cond3A_137 = arith.constant 0 : i32
      %cond3A_138 = arith.cmpi ne, %convert_element_type3A_136, %cond3A_137 : i32
      scf.if %cond3A_138 {
        %gt3A = arith.constant 0 : i32
        %gt3A_239 = arith.cmpi sgt, %add3A_122, %gt3A : i32
        %convert_element_type3A_240 = arith.extui %gt3A_239 : i1 to i32
        %cond3A_241 = arith.constant 0 : i32
        %cond3A_242 = arith.cmpi ne, %convert_element_type3A_240, %cond3A_241 : i32
        scf.if %cond3A_242 {
          %dma_wait3A_265 = arith.constant 0 : i32
          %dma_wait3A_266 = arith.constant 0 : i32
          %dma_wait3A_267 = tpu.memref_slice %arg25[%dma_wait3A_265, %dma_wait3A_266] : memref<10112x128xf32, #tpu.memory_space<vmem_shared>> -> memref<10112x128xf32, #tpu.memory_space<vmem_shared>>
          tpu.wait_indirect_dma semaphore(%arg38 : memref<!tpu.dma_semaphore, #tpu.memory_space<semaphore_mem>>) src(%arg23 : memref<120x128xf32, #tpu.memory_space<vmem>>) dst(%dma_wait3A_267 : memref<10112x128xf32, #tpu.memory_space<vmem_shared>>)
        } else {
        }
        %dma_wait3A_243 = arith.constant 0 : i32
        %dma_wait3A_244 = tpu.memref_slice %arg3[%dma_wait3A_243] : memref<322560xi32, #tpu.memory_space<hbm>> -> memref<120xi32, #tpu.memory_space<hbm>>
        %dma_wait3A_245 = arith.constant 0 : i32
        %dma_wait3A_246 = tpu.memref_slice %arg3[%dma_wait3A_245] : memref<322560xi32, #tpu.memory_space<hbm>> -> memref<120xi32, #tpu.memory_space<hbm>>
        tpu.wait_dma2 semaphore(%arg29 : memref<!tpu.dma_semaphore, #tpu.memory_space<semaphore_mem>>) src(%dma_wait3A_246 : memref<120xi32, #tpu.memory_space<hbm>>) dst(%arg11 : memref<120xi32, #tpu.memory_space<vmem>>)
        %dma_wait3A_247 = arith.constant 0 : i32
        %dma_wait3A_248 = tpu.memref_slice %arg4[%dma_wait3A_247] : memref<322560xi32, #tpu.memory_space<hbm>> -> memref<120xi32, #tpu.memory_space<hbm>>
        %dma_wait3A_249 = arith.constant 0 : i32
        %dma_wait3A_250 = tpu.memref_slice %arg4[%dma_wait3A_249] : memref<322560xi32, #tpu.memory_space<hbm>> -> memref<120xi32, #tpu.memory_space<hbm>>
        tpu.wait_dma2 semaphore(%arg29 : memref<!tpu.dma_semaphore, #tpu.memory_space<semaphore_mem>>) src(%dma_wait3A_250 : memref<120xi32, #tpu.memory_space<hbm>>) dst(%arg17 : memref<120xi32, #tpu.memory_space<vmem>>)
        %dma_start3A_251 = arith.constant 0 : i32
        %dma_start3A_252 = arith.constant 0 : i32
        %dma_start3A_253 = tpu.memref_slice %arg2[%dma_start3A_251, %dma_start3A_252] : memref<10000x128xf32, #tpu.memory_space<hbm>> -> memref<10000x128xf32, #tpu.memory_space<hbm>>
        tpu.enqueue_indirect_dma source(%dma_start3A_253 : memref<10000x128xf32, #tpu.memory_space<hbm>>) target(%arg23 : memref<120x128xf32, #tpu.memory_space<vmem>>) offsets(%arg11 : memref<120xi32, #tpu.memory_space<vmem>>) semaphore(%arg35 : memref<!tpu.dma_semaphore, #tpu.memory_space<semaphore_mem>>)
        %gt3A_254 = arith.constant 0 : i32
        %gt3A_255 = arith.cmpi sgt, %add3A_122, %gt3A_254 : i32
        %sub3A_256 = arith.constant 1 : i32
        %sub3A_257 = arith.subi %add3A_122, %sub3A_256 : i32
        %add3A_258 = arith.constant 6 : i32
        %add3A_259 = arith.addi %sub3A_257, %add3A_258 : i32
        %lt3A_260 = arith.constant 84 : i32
        %lt3A_261 = arith.cmpi slt, %add3A_259, %lt3A_260 : i32
        %and3A = arith.andi %gt3A_255, %lt3A_261 : i1
        %convert_element_type3A_262 = arith.extui %and3A : i1 to i32
        %cond3A_263 = arith.constant 0 : i32
        %cond3A_264 = arith.cmpi ne, %convert_element_type3A_262, %cond3A_263 : i32
        scf.if %cond3A_264 {
          %sub3A_265 = arith.constant 1 : i32
          %sub3A_266 = arith.subi %add3A_122, %sub3A_265 : i32
          %add3A_267 = arith.constant 6 : i32
          %add3A_268 = arith.addi %sub3A_266, %add3A_267 : i32
          %mul3A_269 = arith.constant 120 : i32
          %mul3A_270 = arith.muli %add3A_268, %mul3A_269 : i32
          %add3A_271 = arith.addi %add3A, %mul3A_270 : i32
          %mul3A_272 = arith.constant 120 : i32
          %mul3A_273 = arith.muli %add3A_268, %mul3A_272 : i32
          %add3A_274 = arith.addi %add3A, %mul3A_273 : i32
          %dma_start3A_275 = tpu.memref_slice %arg3[%add3A_271] : memref<322560xi32, #tpu.memory_space<hbm>> -> memref<120xi32, #tpu.memory_space<hbm>>
          %dma_start3A_276 = tpu.memref_slice %arg3[%add3A_271] : memref<322560xi32, #tpu.memory_space<hbm>> -> memref<120xi32, #tpu.memory_space<hbm>>
          tpu.enqueue_dma source(%dma_start3A_276 : memref<120xi32, #tpu.memory_space<hbm>>) target(%arg14 : memref<120xi32, #tpu.memory_space<vmem>>) target_semaphore(%arg32 : memref<!tpu.dma_semaphore, #tpu.memory_space<semaphore_mem>>)
          %dma_start3A_277 = tpu.memref_slice %arg4[%add3A_274] : memref<322560xi32, #tpu.memory_space<hbm>> -> memref<120xi32, #tpu.memory_space<hbm>>
          %dma_start3A_278 = tpu.memref_slice %arg4[%add3A_274] : memref<322560xi32, #tpu.memory_space<hbm>> -> memref<120xi32, #tpu.memory_space<hbm>>
          tpu.enqueue_dma source(%dma_start3A_278 : memref<120xi32, #tpu.memory_space<hbm>>) target(%arg20 : memref<120xi32, #tpu.memory_space<vmem>>) target_semaphore(%arg32 : memref<!tpu.dma_semaphore, #tpu.memory_space<semaphore_mem>>)
        } else {
        }
      } else {
      }
      %add3A_139 = arith.constant 1 : i32
      %add3A_140 = arith.addi %add3A_120, %add3A_139 : i32
      %dma_wait3A_141 = arith.constant 0 : i32
      %dma_wait3A_142 = arith.constant 0 : i32
      %dma_wait3A_143 = tpu.memref_slice %arg2[%dma_wait3A_141, %dma_wait3A_142] : memref<10000x128xf32, #tpu.memory_space<hbm>> -> memref<120x128xf32, #tpu.memory_space<hbm>>
      %dma_wait3A_144 = arith.constant 0 : i32
      %dma_wait3A_145 = arith.constant 0 : i32
      %dma_wait3A_146 = tpu.memref_slice %arg2[%dma_wait3A_144, %dma_wait3A_145] : memref<10000x128xf32, #tpu.memory_space<hbm>> -> memref<120x128xf32, #tpu.memory_space<hbm>>
      tpu.wait_dma2 semaphore(%arg34 : memref<!tpu.dma_semaphore, #tpu.memory_space<semaphore_mem>>) src(%dma_wait3A_146 : memref<120x128xf32, #tpu.memory_space<hbm>>) dst(%arg22 : memref<120x128xf32, #tpu.memory_space<vmem>>)
      %dma_start3A_147 = arith.constant 0 : i32
      %dma_start3A_148 = arith.constant 0 : i32
      %dma_start3A_149 = tpu.memref_slice %arg25[%dma_start3A_147, %dma_start3A_148] : memref<10112x128xf32, #tpu.memory_space<vmem_shared>> -> memref<10112x128xf32, #tpu.memory_space<vmem_shared>>
      tpu.enqueue_indirect_dma source(%arg22 : memref<120x128xf32, #tpu.memory_space<vmem>>) target(%dma_start3A_149 : memref<10112x128xf32, #tpu.memory_space<vmem_shared>>) offsets(%arg16 : memref<120xi32, #tpu.memory_space<vmem>>) semaphore(%arg37 : memref<!tpu.dma_semaphore, #tpu.memory_space<semaphore_mem>>) {add = true}
      "tpu.region"() ({
        %run_scoped3A = tpu.sem_alloc : memref<!tpu.dma_semaphore, #tpu.memory_space<semaphore_mem>>
        %dma_start3A_239 = arith.constant 0 : i32
        %dma_start3A_240 = tpu.memref_slice %arg26[%dma_start3A_239] : memref<10112xf32, #tpu.memory_space<vmem_shared>> -> memref<10112xf32, #tpu.memory_space<vmem_shared>>
        tpu.enqueue_indirect_dma source(%arg24 : memref<120xf32, #tpu.memory_space<vmem>>) target(%dma_start3A_240 : memref<10112xf32, #tpu.memory_space<vmem_shared>>) offsets(%arg16 : memref<120xi32, #tpu.memory_space<vmem>>) semaphore(%run_scoped3A : memref<!tpu.dma_semaphore, #tpu.memory_space<semaphore_mem>>) {add = true}
        %dma_wait3A_241 = arith.constant 0 : i32
        %dma_wait3A_242 = tpu.memref_slice %arg26[%dma_wait3A_241] : memref<10112xf32, #tpu.memory_space<vmem_shared>> -> memref<10112xf32, #tpu.memory_space<vmem_shared>>
        tpu.wait_indirect_dma semaphore(%run_scoped3A : memref<!tpu.dma_semaphore, #tpu.memory_space<semaphore_mem>>) src(%arg24 : memref<120xf32, #tpu.memory_space<vmem>>) dst(%dma_wait3A_242 : memref<10112xf32, #tpu.memory_space<vmem_shared>>)
        tpu.yield
      }) : () -> ()
      %add3A_150 = arith.constant 3 : i32
      %add3A_151 = arith.addi %add3A_140, %add3A_150 : i32
      %sub3A_152 = arith.constant 1 : i32
      %sub3A_153 = arith.subi %add3A_151, %sub3A_152 : i32
      %lt3A_154 = arith.constant 84 : i32
      %lt3A_155 = arith.cmpi slt, %sub3A_153, %lt3A_154 : i32
      %convert_element_type3A_156 = arith.extui %lt3A_155 : i1 to i32
      %cond3A_157 = arith.constant 0 : i32
      %cond3A_158 = arith.cmpi ne, %convert_element_type3A_156, %cond3A_157 : i32
      scf.if %cond3A_158 {
        %gt3A = arith.constant 0 : i32
        %gt3A_239 = arith.cmpi sgt, %add3A_140, %gt3A : i32
        %convert_element_type3A_240 = arith.extui %gt3A_239 : i1 to i32
        %cond3A_241 = arith.constant 0 : i32
        %cond3A_242 = arith.cmpi ne, %convert_element_type3A_240, %cond3A_241 : i32
        scf.if %cond3A_242 {
          %dma_wait3A_265 = arith.constant 0 : i32
          %dma_wait3A_266 = arith.constant 0 : i32
          %dma_wait3A_267 = tpu.memref_slice %arg25[%dma_wait3A_265, %dma_wait3A_266] : memref<10112x128xf32, #tpu.memory_space<vmem_shared>> -> memref<10112x128xf32, #tpu.memory_space<vmem_shared>>
          tpu.wait_indirect_dma semaphore(%arg36 : memref<!tpu.dma_semaphore, #tpu.memory_space<semaphore_mem>>) src(%arg21 : memref<120x128xf32, #tpu.memory_space<vmem>>) dst(%dma_wait3A_267 : memref<10112x128xf32, #tpu.memory_space<vmem_shared>>)
        } else {
        }
        %dma_wait3A_243 = arith.constant 0 : i32
        %dma_wait3A_244 = tpu.memref_slice %arg3[%dma_wait3A_243] : memref<322560xi32, #tpu.memory_space<hbm>> -> memref<120xi32, #tpu.memory_space<hbm>>
        %dma_wait3A_245 = arith.constant 0 : i32
        %dma_wait3A_246 = tpu.memref_slice %arg3[%dma_wait3A_245] : memref<322560xi32, #tpu.memory_space<hbm>> -> memref<120xi32, #tpu.memory_space<hbm>>
        tpu.wait_dma2 semaphore(%arg30 : memref<!tpu.dma_semaphore, #tpu.memory_space<semaphore_mem>>) src(%dma_wait3A_246 : memref<120xi32, #tpu.memory_space<hbm>>) dst(%arg12 : memref<120xi32, #tpu.memory_space<vmem>>)
        %dma_wait3A_247 = arith.constant 0 : i32
        %dma_wait3A_248 = tpu.memref_slice %arg4[%dma_wait3A_247] : memref<322560xi32, #tpu.memory_space<hbm>> -> memref<120xi32, #tpu.memory_space<hbm>>
        %dma_wait3A_249 = arith.constant 0 : i32
        %dma_wait3A_250 = tpu.memref_slice %arg4[%dma_wait3A_249] : memref<322560xi32, #tpu.memory_space<hbm>> -> memref<120xi32, #tpu.memory_space<hbm>>
        tpu.wait_dma2 semaphore(%arg30 : memref<!tpu.dma_semaphore, #tpu.memory_space<semaphore_mem>>) src(%dma_wait3A_250 : memref<120xi32, #tpu.memory_space<hbm>>) dst(%arg18 : memref<120xi32, #tpu.memory_space<vmem>>)
        %dma_start3A_251 = arith.constant 0 : i32
        %dma_start3A_252 = arith.constant 0 : i32
        %dma_start3A_253 = tpu.memref_slice %arg2[%dma_start3A_251, %dma_start3A_252] : memref<10000x128xf32, #tpu.memory_space<hbm>> -> memref<10000x128xf32, #tpu.memory_space<hbm>>
        tpu.enqueue_indirect_dma source(%dma_start3A_253 : memref<10000x128xf32, #tpu.memory_space<hbm>>) target(%arg21 : memref<120x128xf32, #tpu.memory_space<vmem>>) offsets(%arg12 : memref<120xi32, #tpu.memory_space<vmem>>) semaphore(%arg33 : memref<!tpu.dma_semaphore, #tpu.memory_space<semaphore_mem>>)
        %gt3A_254 = arith.constant 0 : i32
        %gt3A_255 = arith.cmpi sgt, %add3A_140, %gt3A_254 : i32
        %sub3A_256 = arith.constant 1 : i32
        %sub3A_257 = arith.subi %add3A_140, %sub3A_256 : i32
        %add3A_258 = arith.constant 6 : i32
        %add3A_259 = arith.addi %sub3A_257, %add3A_258 : i32
        %lt3A_260 = arith.constant 84 : i32
        %lt3A_261 = arith.cmpi slt, %add3A_259, %lt3A_260 : i32
        %and3A = arith.andi %gt3A_255, %lt3A_261 : i1
        %convert_element_type3A_262 = arith.extui %and3A : i1 to i32
        %cond3A_263 = arith.constant 0 : i32
        %cond3A_264 = arith.cmpi ne, %convert_element_type3A_262, %cond3A_263 : i32
        scf.if %cond3A_264 {
          %sub3A_265 = arith.constant 1 : i32
          %sub3A_266 = arith.subi %add3A_140, %sub3A_265 : i32
          %add3A_267 = arith.constant 6 : i32
          %add3A_268 = arith.addi %sub3A_266, %add3A_267 : i32
          %mul3A_269 = arith.constant 120 : i32
          %mul3A_270 = arith.muli %add3A_268, %mul3A_269 : i32
          %add3A_271 = arith.addi %add3A, %mul3A_270 : i32
          %mul3A_272 = arith.constant 120 : i32
          %mul3A_273 = arith.muli %add3A_268, %mul3A_272 : i32
          %add3A_274 = arith.addi %add3A, %mul3A_273 : i32
          %dma_start3A_275 = tpu.memref_slice %arg3[%add3A_271] : memref<322560xi32, #tpu.memory_space<hbm>> -> memref<120xi32, #tpu.memory_space<hbm>>
          %dma_start3A_276 = tpu.memref_slice %arg3[%add3A_271] : memref<322560xi32, #tpu.memory_space<hbm>> -> memref<120xi32, #tpu.memory_space<hbm>>
          tpu.enqueue_dma source(%dma_start3A_276 : memref<120xi32, #tpu.memory_space<hbm>>) target(%arg9 : memref<120xi32, #tpu.memory_space<vmem>>) target_semaphore(%arg27 : memref<!tpu.dma_semaphore, #tpu.memory_space<semaphore_mem>>)
          %dma_start3A_277 = tpu.memref_slice %arg4[%add3A_274] : memref<322560xi32, #tpu.memory_space<hbm>> -> memref<120xi32, #tpu.memory_space<hbm>>
          %dma_start3A_278 = tpu.memref_slice %arg4[%add3A_274] : memref<322560xi32, #tpu.memory_space<hbm>> -> memref<120xi32, #tpu.memory_space<hbm>>
          tpu.enqueue_dma source(%dma_start3A_278 : memref<120xi32, #tpu.memory_space<hbm>>) target(%arg15 : memref<120xi32, #tpu.memory_space<vmem>>) target_semaphore(%arg27 : memref<!tpu.dma_semaphore, #tpu.memory_space<semaphore_mem>>)
        } else {
        }
      } else {
      }
      %add3A_159 = arith.constant 2 : i32
      %add3A_160 = arith.addi %add3A_120, %add3A_159 : i32
      %dma_wait3A_161 = arith.constant 0 : i32
      %dma_wait3A_162 = arith.constant 0 : i32
      %dma_wait3A_163 = tpu.memref_slice %arg2[%dma_wait3A_161, %dma_wait3A_162] : memref<10000x128xf32, #tpu.memory_space<hbm>> -> memref<120x128xf32, #tpu.memory_space<hbm>>
      %dma_wait3A_164 = arith.constant 0 : i32
      %dma_wait3A_165 = arith.constant 0 : i32
      %dma_wait3A_166 = tpu.memref_slice %arg2[%dma_wait3A_164, %dma_wait3A_165] : memref<10000x128xf32, #tpu.memory_space<hbm>> -> memref<120x128xf32, #tpu.memory_space<hbm>>
      tpu.wait_dma2 semaphore(%arg35 : memref<!tpu.dma_semaphore, #tpu.memory_space<semaphore_mem>>) src(%dma_wait3A_166 : memref<120x128xf32, #tpu.memory_space<hbm>>) dst(%arg23 : memref<120x128xf32, #tpu.memory_space<vmem>>)
      %dma_start3A_167 = arith.constant 0 : i32
      %dma_start3A_168 = arith.constant 0 : i32
      %dma_start3A_169 = tpu.memref_slice %arg25[%dma_start3A_167, %dma_start3A_168] : memref<10112x128xf32, #tpu.memory_space<vmem_shared>> -> memref<10112x128xf32, #tpu.memory_space<vmem_shared>>
      tpu.enqueue_indirect_dma source(%arg23 : memref<120x128xf32, #tpu.memory_space<vmem>>) target(%dma_start3A_169 : memref<10112x128xf32, #tpu.memory_space<vmem_shared>>) offsets(%arg17 : memref<120xi32, #tpu.memory_space<vmem>>) semaphore(%arg38 : memref<!tpu.dma_semaphore, #tpu.memory_space<semaphore_mem>>) {add = true}
      "tpu.region"() ({
        %run_scoped3A = tpu.sem_alloc : memref<!tpu.dma_semaphore, #tpu.memory_space<semaphore_mem>>
        %dma_start3A_239 = arith.constant 0 : i32
        %dma_start3A_240 = tpu.memref_slice %arg26[%dma_start3A_239] : memref<10112xf32, #tpu.memory_space<vmem_shared>> -> memref<10112xf32, #tpu.memory_space<vmem_shared>>
        tpu.enqueue_indirect_dma source(%arg24 : memref<120xf32, #tpu.memory_space<vmem>>) target(%dma_start3A_240 : memref<10112xf32, #tpu.memory_space<vmem_shared>>) offsets(%arg17 : memref<120xi32, #tpu.memory_space<vmem>>) semaphore(%run_scoped3A : memref<!tpu.dma_semaphore, #tpu.memory_space<semaphore_mem>>) {add = true}
        %dma_wait3A_241 = arith.constant 0 : i32
        %dma_wait3A_242 = tpu.memref_slice %arg26[%dma_wait3A_241] : memref<10112xf32, #tpu.memory_space<vmem_shared>> -> memref<10112xf32, #tpu.memory_space<vmem_shared>>
        tpu.wait_indirect_dma semaphore(%run_scoped3A : memref<!tpu.dma_semaphore, #tpu.memory_space<semaphore_mem>>) src(%arg24 : memref<120xf32, #tpu.memory_space<vmem>>) dst(%dma_wait3A_242 : memref<10112xf32, #tpu.memory_space<vmem_shared>>)
        tpu.yield
      }) : () -> ()
      %add3A_170 = arith.constant 3 : i32
      %add3A_171 = arith.addi %add3A_160, %add3A_170 : i32
      %sub3A_172 = arith.constant 1 : i32
      %sub3A_173 = arith.subi %add3A_171, %sub3A_172 : i32
      %lt3A_174 = arith.constant 84 : i32
      %lt3A_175 = arith.cmpi slt, %sub3A_173, %lt3A_174 : i32
      %convert_element_type3A_176 = arith.extui %lt3A_175 : i1 to i32
      %cond3A_177 = arith.constant 0 : i32
      %cond3A_178 = arith.cmpi ne, %convert_element_type3A_176, %cond3A_177 : i32
      scf.if %cond3A_178 {
        %gt3A = arith.constant 0 : i32
        %gt3A_239 = arith.cmpi sgt, %add3A_160, %gt3A : i32
        %convert_element_type3A_240 = arith.extui %gt3A_239 : i1 to i32
        %cond3A_241 = arith.constant 0 : i32
        %cond3A_242 = arith.cmpi ne, %convert_element_type3A_240, %cond3A_241 : i32
        scf.if %cond3A_242 {
          %dma_wait3A_265 = arith.constant 0 : i32
          %dma_wait3A_266 = arith.constant 0 : i32
          %dma_wait3A_267 = tpu.memref_slice %arg25[%dma_wait3A_265, %dma_wait3A_266] : memref<10112x128xf32, #tpu.memory_space<vmem_shared>> -> memref<10112x128xf32, #tpu.memory_space<vmem_shared>>
          tpu.wait_indirect_dma semaphore(%arg37 : memref<!tpu.dma_semaphore, #tpu.memory_space<semaphore_mem>>) src(%arg22 : memref<120x128xf32, #tpu.memory_space<vmem>>) dst(%dma_wait3A_267 : memref<10112x128xf32, #tpu.memory_space<vmem_shared>>)
        } else {
        }
        %dma_wait3A_243 = arith.constant 0 : i32
        %dma_wait3A_244 = tpu.memref_slice %arg3[%dma_wait3A_243] : memref<322560xi32, #tpu.memory_space<hbm>> -> memref<120xi32, #tpu.memory_space<hbm>>
        %dma_wait3A_245 = arith.constant 0 : i32
        %dma_wait3A_246 = tpu.memref_slice %arg3[%dma_wait3A_245] : memref<322560xi32, #tpu.memory_space<hbm>> -> memref<120xi32, #tpu.memory_space<hbm>>
        tpu.wait_dma2 semaphore(%arg31 : memref<!tpu.dma_semaphore, #tpu.memory_space<semaphore_mem>>) src(%dma_wait3A_246 : memref<120xi32, #tpu.memory_space<hbm>>) dst(%arg13 : memref<120xi32, #tpu.memory_space<vmem>>)
        %dma_wait3A_247 = arith.constant 0 : i32
        %dma_wait3A_248 = tpu.memref_slice %arg4[%dma_wait3A_247] : memref<322560xi32, #tpu.memory_space<hbm>> -> memref<120xi32, #tpu.memory_space<hbm>>
        %dma_wait3A_249 = arith.constant 0 : i32
        %dma_wait3A_250 = tpu.memref_slice %arg4[%dma_wait3A_249] : memref<322560xi32, #tpu.memory_space<hbm>> -> memref<120xi32, #tpu.memory_space<hbm>>
        tpu.wait_dma2 semaphore(%arg31 : memref<!tpu.dma_semaphore, #tpu.memory_space<semaphore_mem>>) src(%dma_wait3A_250 : memref<120xi32, #tpu.memory_space<hbm>>) dst(%arg19 : memref<120xi32, #tpu.memory_space<vmem>>)
        %dma_start3A_251 = arith.constant 0 : i32
        %dma_start3A_252 = arith.constant 0 : i32
        %dma_start3A_253 = tpu.memref_slice %arg2[%dma_start3A_251, %dma_start3A_252] : memref<10000x128xf32, #tpu.memory_space<hbm>> -> memref<10000x128xf32, #tpu.memory_space<hbm>>
        tpu.enqueue_indirect_dma source(%dma_start3A_253 : memref<10000x128xf32, #tpu.memory_space<hbm>>) target(%arg22 : memref<120x128xf32, #tpu.memory_space<vmem>>) offsets(%arg13 : memref<120xi32, #tpu.memory_space<vmem>>) semaphore(%arg34 : memref<!tpu.dma_semaphore, #tpu.memory_space<semaphore_mem>>)
        %gt3A_254 = arith.constant 0 : i32
        %gt3A_255 = arith.cmpi sgt, %add3A_160, %gt3A_254 : i32
        %sub3A_256 = arith.constant 1 : i32
        %sub3A_257 = arith.subi %add3A_160, %sub3A_256 : i32
        %add3A_258 = arith.constant 6 : i32
        %add3A_259 = arith.addi %sub3A_257, %add3A_258 : i32
        %lt3A_260 = arith.constant 84 : i32
        %lt3A_261 = arith.cmpi slt, %add3A_259, %lt3A_260 : i32
        %and3A = arith.andi %gt3A_255, %lt3A_261 : i1
        %convert_element_type3A_262 = arith.extui %and3A : i1 to i32
        %cond3A_263 = arith.constant 0 : i32
        %cond3A_264 = arith.cmpi ne, %convert_element_type3A_262, %cond3A_263 : i32
        scf.if %cond3A_264 {
          %sub3A_265 = arith.constant 1 : i32
          %sub3A_266 = arith.subi %add3A_160, %sub3A_265 : i32
          %add3A_267 = arith.constant 6 : i32
          %add3A_268 = arith.addi %sub3A_266, %add3A_267 : i32
          %mul3A_269 = arith.constant 120 : i32
          %mul3A_270 = arith.muli %add3A_268, %mul3A_269 : i32
          %add3A_271 = arith.addi %add3A, %mul3A_270 : i32
          %mul3A_272 = arith.constant 120 : i32
          %mul3A_273 = arith.muli %add3A_268, %mul3A_272 : i32
          %add3A_274 = arith.addi %add3A, %mul3A_273 : i32
          %dma_start3A_275 = tpu.memref_slice %arg3[%add3A_271] : memref<322560xi32, #tpu.memory_space<hbm>> -> memref<120xi32, #tpu.memory_space<hbm>>
          %dma_start3A_276 = tpu.memref_slice %arg3[%add3A_271] : memref<322560xi32, #tpu.memory_space<hbm>> -> memref<120xi32, #tpu.memory_space<hbm>>
          tpu.enqueue_dma source(%dma_start3A_276 : memref<120xi32, #tpu.memory_space<hbm>>) target(%arg10 : memref<120xi32, #tpu.memory_space<vmem>>) target_semaphore(%arg28 : memref<!tpu.dma_semaphore, #tpu.memory_space<semaphore_mem>>)
          %dma_start3A_277 = tpu.memref_slice %arg4[%add3A_274] : memref<322560xi32, #tpu.memory_space<hbm>> -> memref<120xi32, #tpu.memory_space<hbm>>
          %dma_start3A_278 = tpu.memref_slice %arg4[%add3A_274] : memref<322560xi32, #tpu.memory_space<hbm>> -> memref<120xi32, #tpu.memory_space<hbm>>
          tpu.enqueue_dma source(%dma_start3A_278 : memref<120xi32, #tpu.memory_space<hbm>>) target(%arg16 : memref<120xi32, #tpu.memory_space<vmem>>) target_semaphore(%arg28 : memref<!tpu.dma_semaphore, #tpu.memory_space<semaphore_mem>>)
        } else {
        }
      } else {
      }
      %add3A_179 = arith.constant 3 : i32
      %add3A_180 = arith.addi %add3A_120, %add3A_179 : i32
      %dma_wait3A_181 = arith.constant 0 : i32
      %dma_wait3A_182 = arith.constant 0 : i32
      %dma_wait3A_183 = tpu.memref_slice %arg2[%dma_wait3A_181, %dma_wait3A_182] : memref<10000x128xf32, #tpu.memory_space<hbm>> -> memref<120x128xf32, #tpu.memory_space<hbm>>
      %dma_wait3A_184 = arith.constant 0 : i32
      %dma_wait3A_185 = arith.constant 0 : i32
      %dma_wait3A_186 = tpu.memref_slice %arg2[%dma_wait3A_184, %dma_wait3A_185] : memref<10000x128xf32, #tpu.memory_space<hbm>> -> memref<120x128xf32, #tpu.memory_space<hbm>>
      tpu.wait_dma2 semaphore(%arg33 : memref<!tpu.dma_semaphore, #tpu.memory_space<semaphore_mem>>) src(%dma_wait3A_186 : memref<120x128xf32, #tpu.memory_space<hbm>>) dst(%arg21 : memref<120x128xf32, #tpu.memory_space<vmem>>)
      %dma_start3A_187 = arith.constant 0 : i32
      %dma_start3A_188 = arith.constant 0 : i32
      %dma_start3A_189 = tpu.memref_slice %arg25[%dma_start3A_187, %dma_start3A_188] : memref<10112x128xf32, #tpu.memory_space<vmem_shared>> -> memref<10112x128xf32, #tpu.memory_space<vmem_shared>>
      tpu.enqueue_indirect_dma source(%arg21 : memref<120x128xf32, #tpu.memory_space<vmem>>) target(%dma_start3A_189 : memref<10112x128xf32, #tpu.memory_space<vmem_shared>>) offsets(%arg18 : memref<120xi32, #tpu.memory_space<vmem>>) semaphore(%arg36 : memref<!tpu.dma_semaphore, #tpu.memory_space<semaphore_mem>>) {add = true}
      "tpu.region"() ({
        %run_scoped3A = tpu.sem_alloc : memref<!tpu.dma_semaphore, #tpu.memory_space<semaphore_mem>>
        %dma_start3A_239 = arith.constant 0 : i32
        %dma_start3A_240 = tpu.memref_slice %arg26[%dma_start3A_239] : memref<10112xf32, #tpu.memory_space<vmem_shared>> -> memref<10112xf32, #tpu.memory_space<vmem_shared>>
        tpu.enqueue_indirect_dma source(%arg24 : memref<120xf32, #tpu.memory_space<vmem>>) target(%dma_start3A_240 : memref<10112xf32, #tpu.memory_space<vmem_shared>>) offsets(%arg18 : memref<120xi32, #tpu.memory_space<vmem>>) semaphore(%run_scoped3A : memref<!tpu.dma_semaphore, #tpu.memory_space<semaphore_mem>>) {add = true}
        %dma_wait3A_241 = arith.constant 0 : i32
        %dma_wait3A_242 = tpu.memref_slice %arg26[%dma_wait3A_241] : memref<10112xf32, #tpu.memory_space<vmem_shared>> -> memref<10112xf32, #tpu.memory_space<vmem_shared>>
        tpu.wait_indirect_dma semaphore(%run_scoped3A : memref<!tpu.dma_semaphore, #tpu.memory_space<semaphore_mem>>) src(%arg24 : memref<120xf32, #tpu.memory_space<vmem>>) dst(%dma_wait3A_242 : memref<10112xf32, #tpu.memory_space<vmem_shared>>)
        tpu.yield
      }) : () -> ()
      %add3A_190 = arith.constant 3 : i32
      %add3A_191 = arith.addi %add3A_180, %add3A_190 : i32
      %sub3A_192 = arith.constant 1 : i32
      %sub3A_193 = arith.subi %add3A_191, %sub3A_192 : i32
      %lt3A_194 = arith.constant 84 : i32
      %lt3A_195 = arith.cmpi slt, %sub3A_193, %lt3A_194 : i32
      %convert_element_type3A_196 = arith.extui %lt3A_195 : i1 to i32
      %cond3A_197 = arith.constant 0 : i32
      %cond3A_198 = arith.cmpi ne, %convert_element_type3A_196, %cond3A_197 : i32
      scf.if %cond3A_198 {
        %gt3A = arith.constant 0 : i32
        %gt3A_239 = arith.cmpi sgt, %add3A_180, %gt3A : i32
        %convert_element_type3A_240 = arith.extui %gt3A_239 : i1 to i32
        %cond3A_241 = arith.constant 0 : i32
        %cond3A_242 = arith.cmpi ne, %convert_element_type3A_240, %cond3A_241 : i32
        scf.if %cond3A_242 {
          %dma_wait3A_265 = arith.constant 0 : i32
          %dma_wait3A_266 = arith.constant 0 : i32
          %dma_wait3A_267 = tpu.memref_slice %arg25[%dma_wait3A_265, %dma_wait3A_266] : memref<10112x128xf32, #tpu.memory_space<vmem_shared>> -> memref<10112x128xf32, #tpu.memory_space<vmem_shared>>
          tpu.wait_indirect_dma semaphore(%arg38 : memref<!tpu.dma_semaphore, #tpu.memory_space<semaphore_mem>>) src(%arg23 : memref<120x128xf32, #tpu.memory_space<vmem>>) dst(%dma_wait3A_267 : memref<10112x128xf32, #tpu.memory_space<vmem_shared>>)
        } else {
        }
        %dma_wait3A_243 = arith.constant 0 : i32
        %dma_wait3A_244 = tpu.memref_slice %arg3[%dma_wait3A_243] : memref<322560xi32, #tpu.memory_space<hbm>> -> memref<120xi32, #tpu.memory_space<hbm>>
        %dma_wait3A_245 = arith.constant 0 : i32
        %dma_wait3A_246 = tpu.memref_slice %arg3[%dma_wait3A_245] : memref<322560xi32, #tpu.memory_space<hbm>> -> memref<120xi32, #tpu.memory_space<hbm>>
        tpu.wait_dma2 semaphore(%arg32 : memref<!tpu.dma_semaphore, #tpu.memory_space<semaphore_mem>>) src(%dma_wait3A_246 : memref<120xi32, #tpu.memory_space<hbm>>) dst(%arg14 : memref<120xi32, #tpu.memory_space<vmem>>)
        %dma_wait3A_247 = arith.constant 0 : i32
        %dma_wait3A_248 = tpu.memref_slice %arg4[%dma_wait3A_247] : memref<322560xi32, #tpu.memory_space<hbm>> -> memref<120xi32, #tpu.memory_space<hbm>>
        %dma_wait3A_249 = arith.constant 0 : i32
        %dma_wait3A_250 = tpu.memref_slice %arg4[%dma_wait3A_249] : memref<322560xi32, #tpu.memory_space<hbm>> -> memref<120xi32, #tpu.memory_space<hbm>>
        tpu.wait_dma2 semaphore(%arg32 : memref<!tpu.dma_semaphore, #tpu.memory_space<semaphore_mem>>) src(%dma_wait3A_250 : memref<120xi32, #tpu.memory_space<hbm>>) dst(%arg20 : memref<120xi32, #tpu.memory_space<vmem>>)
        %dma_start3A_251 = arith.constant 0 : i32
        %dma_start3A_252 = arith.constant 0 : i32
        %dma_start3A_253 = tpu.memref_slice %arg2[%dma_start3A_251, %dma_start3A_252] : memref<10000x128xf32, #tpu.memory_space<hbm>> -> memref<10000x128xf32, #tpu.memory_space<hbm>>
        tpu.enqueue_indirect_dma source(%dma_start3A_253 : memref<10000x128xf32, #tpu.memory_space<hbm>>) target(%arg23 : memref<120x128xf32, #tpu.memory_space<vmem>>) offsets(%arg14 : memref<120xi32, #tpu.memory_space<vmem>>) semaphore(%arg35 : memref<!tpu.dma_semaphore, #tpu.memory_space<semaphore_mem>>)
        %gt3A_254 = arith.constant 0 : i32
        %gt3A_255 = arith.cmpi sgt, %add3A_180, %gt3A_254 : i32
        %sub3A_256 = arith.constant 1 : i32
        %sub3A_257 = arith.subi %add3A_180, %sub3A_256 : i32
        %add3A_258 = arith.constant 6 : i32
        %add3A_259 = arith.addi %sub3A_257, %add3A_258 : i32
        %lt3A_260 = arith.constant 84 : i32
        %lt3A_261 = arith.cmpi slt, %add3A_259, %lt3A_260 : i32
        %and3A = arith.andi %gt3A_255, %lt3A_261 : i1
        %convert_element_type3A_262 = arith.extui %and3A : i1 to i32
        %cond3A_263 = arith.constant 0 : i32
        %cond3A_264 = arith.cmpi ne, %convert_element_type3A_262, %cond3A_263 : i32
        scf.if %cond3A_264 {
          %sub3A_265 = arith.constant 1 : i32
          %sub3A_266 = arith.subi %add3A_180, %sub3A_265 : i32
          %add3A_267 = arith.constant 6 : i32
          %add3A_268 = arith.addi %sub3A_266, %add3A_267 : i32
          %mul3A_269 = arith.constant 120 : i32
          %mul3A_270 = arith.muli %add3A_268, %mul3A_269 : i32
          %add3A_271 = arith.addi %add3A, %mul3A_270 : i32
          %mul3A_272 = arith.constant 120 : i32
          %mul3A_273 = arith.muli %add3A_268, %mul3A_272 : i32
          %add3A_274 = arith.addi %add3A, %mul3A_273 : i32
          %dma_start3A_275 = tpu.memref_slice %arg3[%add3A_271] : memref<322560xi32, #tpu.memory_space<hbm>> -> memref<120xi32, #tpu.memory_space<hbm>>
          %dma_start3A_276 = tpu.memref_slice %arg3[%add3A_271] : memref<322560xi32, #tpu.memory_space<hbm>> -> memref<120xi32, #tpu.memory_space<hbm>>
          tpu.enqueue_dma source(%dma_start3A_276 : memref<120xi32, #tpu.memory_space<hbm>>) target(%arg11 : memref<120xi32, #tpu.memory_space<vmem>>) target_semaphore(%arg29 : memref<!tpu.dma_semaphore, #tpu.memory_space<semaphore_mem>>)
          %dma_start3A_277 = tpu.memref_slice %arg4[%add3A_274] : memref<322560xi32, #tpu.memory_space<hbm>> -> memref<120xi32, #tpu.memory_space<hbm>>
          %dma_start3A_278 = tpu.memref_slice %arg4[%add3A_274] : memref<322560xi32, #tpu.memory_space<hbm>> -> memref<120xi32, #tpu.memory_space<hbm>>
          tpu.enqueue_dma source(%dma_start3A_278 : memref<120xi32, #tpu.memory_space<hbm>>) target(%arg17 : memref<120xi32, #tpu.memory_space<vmem>>) target_semaphore(%arg29 : memref<!tpu.dma_semaphore, #tpu.memory_space<semaphore_mem>>)
        } else {
        }
      } else {
      }
      %add3A_199 = arith.constant 4 : i32
      %add3A_200 = arith.addi %add3A_120, %add3A_199 : i32
      %dma_wait3A_201 = arith.constant 0 : i32
      %dma_wait3A_202 = arith.constant 0 : i32
      %dma_wait3A_203 = tpu.memref_slice %arg2[%dma_wait3A_201, %dma_wait3A_202] : memref<10000x128xf32, #tpu.memory_space<hbm>> -> memref<120x128xf32, #tpu.memory_space<hbm>>
      %dma_wait3A_204 = arith.constant 0 : i32
      %dma_wait3A_205 = arith.constant 0 : i32
      %dma_wait3A_206 = tpu.memref_slice %arg2[%dma_wait3A_204, %dma_wait3A_205] : memref<10000x128xf32, #tpu.memory_space<hbm>> -> memref<120x128xf32, #tpu.memory_space<hbm>>
      tpu.wait_dma2 semaphore(%arg34 : memref<!tpu.dma_semaphore, #tpu.memory_space<semaphore_mem>>) src(%dma_wait3A_206 : memref<120x128xf32, #tpu.memory_space<hbm>>) dst(%arg22 : memref<120x128xf32, #tpu.memory_space<vmem>>)
      %dma_start3A_207 = arith.constant 0 : i32
      %dma_start3A_208 = arith.constant 0 : i32
      %dma_start3A_209 = tpu.memref_slice %arg25[%dma_start3A_207, %dma_start3A_208] : memref<10112x128xf32, #tpu.memory_space<vmem_shared>> -> memref<10112x128xf32, #tpu.memory_space<vmem_shared>>
      tpu.enqueue_indirect_dma source(%arg22 : memref<120x128xf32, #tpu.memory_space<vmem>>) target(%dma_start3A_209 : memref<10112x128xf32, #tpu.memory_space<vmem_shared>>) offsets(%arg19 : memref<120xi32, #tpu.memory_space<vmem>>) semaphore(%arg37 : memref<!tpu.dma_semaphore, #tpu.memory_space<semaphore_mem>>) {add = true}
      "tpu.region"() ({
        %run_scoped3A = tpu.sem_alloc : memref<!tpu.dma_semaphore, #tpu.memory_space<semaphore_mem>>
        %dma_start3A_239 = arith.constant 0 : i32
        %dma_start3A_240 = tpu.memref_slice %arg26[%dma_start3A_239] : memref<10112xf32, #tpu.memory_space<vmem_shared>> -> memref<10112xf32, #tpu.memory_space<vmem_shared>>
        tpu.enqueue_indirect_dma source(%arg24 : memref<120xf32, #tpu.memory_space<vmem>>) target(%dma_start3A_240 : memref<10112xf32, #tpu.memory_space<vmem_shared>>) offsets(%arg19 : memref<120xi32, #tpu.memory_space<vmem>>) semaphore(%run_scoped3A : memref<!tpu.dma_semaphore, #tpu.memory_space<semaphore_mem>>) {add = true}
        %dma_wait3A_241 = arith.constant 0 : i32
        %dma_wait3A_242 = tpu.memref_slice %arg26[%dma_wait3A_241] : memref<10112xf32, #tpu.memory_space<vmem_shared>> -> memref<10112xf32, #tpu.memory_space<vmem_shared>>
        tpu.wait_indirect_dma semaphore(%run_scoped3A : memref<!tpu.dma_semaphore, #tpu.memory_space<semaphore_mem>>) src(%arg24 : memref<120xf32, #tpu.memory_space<vmem>>) dst(%dma_wait3A_242 : memref<10112xf32, #tpu.memory_space<vmem_shared>>)
        tpu.yield
      }) : () -> ()
      %add3A_210 = arith.constant 3 : i32
      %add3A_211 = arith.addi %add3A_200, %add3A_210 : i32
      %sub3A_212 = arith.constant 1 : i32
      %sub3A_213 = arith.subi %add3A_211, %sub3A_212 : i32
      %lt3A_214 = arith.constant 84 : i32
      %lt3A_215 = arith.cmpi slt, %sub3A_213, %lt3A_214 : i32
      %convert_element_type3A_216 = arith.extui %lt3A_215 : i1 to i32
      %cond3A_217 = arith.constant 0 : i32
      %cond3A_218 = arith.cmpi ne, %convert_element_type3A_216, %cond3A_217 : i32
      scf.if %cond3A_218 {
        %gt3A = arith.constant 0 : i32
        %gt3A_239 = arith.cmpi sgt, %add3A_200, %gt3A : i32
        %convert_element_type3A_240 = arith.extui %gt3A_239 : i1 to i32
        %cond3A_241 = arith.constant 0 : i32
        %cond3A_242 = arith.cmpi ne, %convert_element_type3A_240, %cond3A_241 : i32
        scf.if %cond3A_242 {
          %dma_wait3A_265 = arith.constant 0 : i32
          %dma_wait3A_266 = arith.constant 0 : i32
          %dma_wait3A_267 = tpu.memref_slice %arg25[%dma_wait3A_265, %dma_wait3A_266] : memref<10112x128xf32, #tpu.memory_space<vmem_shared>> -> memref<10112x128xf32, #tpu.memory_space<vmem_shared>>
          tpu.wait_indirect_dma semaphore(%arg36 : memref<!tpu.dma_semaphore, #tpu.memory_space<semaphore_mem>>) src(%arg21 : memref<120x128xf32, #tpu.memory_space<vmem>>) dst(%dma_wait3A_267 : memref<10112x128xf32, #tpu.memory_space<vmem_shared>>)
        } else {
        }
        %dma_wait3A_243 = arith.constant 0 : i32
        %dma_wait3A_244 = tpu.memref_slice %arg3[%dma_wait3A_243] : memref<322560xi32, #tpu.memory_space<hbm>> -> memref<120xi32, #tpu.memory_space<hbm>>
        %dma_wait3A_245 = arith.constant 0 : i32
        %dma_wait3A_246 = tpu.memref_slice %arg3[%dma_wait3A_245] : memref<322560xi32, #tpu.memory_space<hbm>> -> memref<120xi32, #tpu.memory_space<hbm>>
        tpu.wait_dma2 semaphore(%arg27 : memref<!tpu.dma_semaphore, #tpu.memory_space<semaphore_mem>>) src(%dma_wait3A_246 : memref<120xi32, #tpu.memory_space<hbm>>) dst(%arg9 : memref<120xi32, #tpu.memory_space<vmem>>)
        %dma_wait3A_247 = arith.constant 0 : i32
        %dma_wait3A_248 = tpu.memref_slice %arg4[%dma_wait3A_247] : memref<322560xi32, #tpu.memory_space<hbm>> -> memref<120xi32, #tpu.memory_space<hbm>>
        %dma_wait3A_249 = arith.constant 0 : i32
        %dma_wait3A_250 = tpu.memref_slice %arg4[%dma_wait3A_249] : memref<322560xi32, #tpu.memory_space<hbm>> -> memref<120xi32, #tpu.memory_space<hbm>>
        tpu.wait_dma2 semaphore(%arg27 : memref<!tpu.dma_semaphore, #tpu.memory_space<semaphore_mem>>) src(%dma_wait3A_250 : memref<120xi32, #tpu.memory_space<hbm>>) dst(%arg15 : memref<120xi32, #tpu.memory_space<vmem>>)
        %dma_start3A_251 = arith.constant 0 : i32
        %dma_start3A_252 = arith.constant 0 : i32
        %dma_start3A_253 = tpu.memref_slice %arg2[%dma_start3A_251, %dma_start3A_252] : memref<10000x128xf32, #tpu.memory_space<hbm>> -> memref<10000x128xf32, #tpu.memory_space<hbm>>
        tpu.enqueue_indirect_dma source(%dma_start3A_253 : memref<10000x128xf32, #tpu.memory_space<hbm>>) target(%arg21 : memref<120x128xf32, #tpu.memory_space<vmem>>) offsets(%arg9 : memref<120xi32, #tpu.memory_space<vmem>>) semaphore(%arg33 : memref<!tpu.dma_semaphore, #tpu.memory_space<semaphore_mem>>)
        %gt3A_254 = arith.constant 0 : i32
        %gt3A_255 = arith.cmpi sgt, %add3A_200, %gt3A_254 : i32
        %sub3A_256 = arith.constant 1 : i32
        %sub3A_257 = arith.subi %add3A_200, %sub3A_256 : i32
        %add3A_258 = arith.constant 6 : i32
        %add3A_259 = arith.addi %sub3A_257, %add3A_258 : i32
        %lt3A_260 = arith.constant 84 : i32
        %lt3A_261 = arith.cmpi slt, %add3A_259, %lt3A_260 : i32
        %and3A = arith.andi %gt3A_255, %lt3A_261 : i1
        %convert_element_type3A_262 = arith.extui %and3A : i1 to i32
        %cond3A_263 = arith.constant 0 : i32
        %cond3A_264 = arith.cmpi ne, %convert_element_type3A_262, %cond3A_263 : i32
        scf.if %cond3A_264 {
          %sub3A_265 = arith.constant 1 : i32
          %sub3A_266 = arith.subi %add3A_200, %sub3A_265 : i32
          %add3A_267 = arith.constant 6 : i32
          %add3A_268 = arith.addi %sub3A_266, %add3A_267 : i32
          %mul3A_269 = arith.constant 120 : i32
          %mul3A_270 = arith.muli %add3A_268, %mul3A_269 : i32
          %add3A_271 = arith.addi %add3A, %mul3A_270 : i32
          %mul3A_272 = arith.constant 120 : i32
          %mul3A_273 = arith.muli %add3A_268, %mul3A_272 : i32
          %add3A_274 = arith.addi %add3A, %mul3A_273 : i32
          %dma_start3A_275 = tpu.memref_slice %arg3[%add3A_271] : memref<322560xi32, #tpu.memory_space<hbm>> -> memref<120xi32, #tpu.memory_space<hbm>>
          %dma_start3A_276 = tpu.memref_slice %arg3[%add3A_271] : memref<322560xi32, #tpu.memory_space<hbm>> -> memref<120xi32, #tpu.memory_space<hbm>>
          tpu.enqueue_dma source(%dma_start3A_276 : memref<120xi32, #tpu.memory_space<hbm>>) target(%arg12 : memref<120xi32, #tpu.memory_space<vmem>>) target_semaphore(%arg30 : memref<!tpu.dma_semaphore, #tpu.memory_space<semaphore_mem>>)
          %dma_start3A_277 = tpu.memref_slice %arg4[%add3A_274] : memref<322560xi32, #tpu.memory_space<hbm>> -> memref<120xi32, #tpu.memory_space<hbm>>
          %dma_start3A_278 = tpu.memref_slice %arg4[%add3A_274] : memref<322560xi32, #tpu.memory_space<hbm>> -> memref<120xi32, #tpu.memory_space<hbm>>
          tpu.enqueue_dma source(%dma_start3A_278 : memref<120xi32, #tpu.memory_space<hbm>>) target(%arg18 : memref<120xi32, #tpu.memory_space<vmem>>) target_semaphore(%arg30 : memref<!tpu.dma_semaphore, #tpu.memory_space<semaphore_mem>>)
        } else {
        }
      } else {
      }
      %add3A_219 = arith.constant 5 : i32
      %add3A_220 = arith.addi %add3A_120, %add3A_219 : i32
      %dma_wait3A_221 = arith.constant 0 : i32
      %dma_wait3A_222 = arith.constant 0 : i32
      %dma_wait3A_223 = tpu.memref_slice %arg2[%dma_wait3A_221, %dma_wait3A_222] : memref<10000x128xf32, #tpu.memory_space<hbm>> -> memref<120x128xf32, #tpu.memory_space<hbm>>
      %dma_wait3A_224 = arith.constant 0 : i32
      %dma_wait3A_225 = arith.constant 0 : i32
      %dma_wait3A_226 = tpu.memref_slice %arg2[%dma_wait3A_224, %dma_wait3A_225] : memref<10000x128xf32, #tpu.memory_space<hbm>> -> memref<120x128xf32, #tpu.memory_space<hbm>>
      tpu.wait_dma2 semaphore(%arg35 : memref<!tpu.dma_semaphore, #tpu.memory_space<semaphore_mem>>) src(%dma_wait3A_226 : memref<120x128xf32, #tpu.memory_space<hbm>>) dst(%arg23 : memref<120x128xf32, #tpu.memory_space<vmem>>)
      %dma_start3A_227 = arith.constant 0 : i32
      %dma_start3A_228 = arith.constant 0 : i32
      %dma_start3A_229 = tpu.memref_slice %arg25[%dma_start3A_227, %dma_start3A_228] : memref<10112x128xf32, #tpu.memory_space<vmem_shared>> -> memref<10112x128xf32, #tpu.memory_space<vmem_shared>>
      tpu.enqueue_indirect_dma source(%arg23 : memref<120x128xf32, #tpu.memory_space<vmem>>) target(%dma_start3A_229 : memref<10112x128xf32, #tpu.memory_space<vmem_shared>>) offsets(%arg20 : memref<120xi32, #tpu.memory_space<vmem>>) semaphore(%arg38 : memref<!tpu.dma_semaphore, #tpu.memory_space<semaphore_mem>>) {add = true}
      "tpu.region"() ({
        %run_scoped3A = tpu.sem_alloc : memref<!tpu.dma_semaphore, #tpu.memory_space<semaphore_mem>>
        %dma_start3A_239 = arith.constant 0 : i32
        %dma_start3A_240 = tpu.memref_slice %arg26[%dma_start3A_239] : memref<10112xf32, #tpu.memory_space<vmem_shared>> -> memref<10112xf32, #tpu.memory_space<vmem_shared>>
        tpu.enqueue_indirect_dma source(%arg24 : memref<120xf32, #tpu.memory_space<vmem>>) target(%dma_start3A_240 : memref<10112xf32, #tpu.memory_space<vmem_shared>>) offsets(%arg20 : memref<120xi32, #tpu.memory_space<vmem>>) semaphore(%run_scoped3A : memref<!tpu.dma_semaphore, #tpu.memory_space<semaphore_mem>>) {add = true}
        %dma_wait3A_241 = arith.constant 0 : i32
        %dma_wait3A_242 = tpu.memref_slice %arg26[%dma_wait3A_241] : memref<10112xf32, #tpu.memory_space<vmem_shared>> -> memref<10112xf32, #tpu.memory_space<vmem_shared>>
        tpu.wait_indirect_dma semaphore(%run_scoped3A : memref<!tpu.dma_semaphore, #tpu.memory_space<semaphore_mem>>) src(%arg24 : memref<120xf32, #tpu.memory_space<vmem>>) dst(%dma_wait3A_242 : memref<10112xf32, #tpu.memory_space<vmem_shared>>)
        tpu.yield
      }) : () -> ()
      %add3A_230 = arith.constant 3 : i32
      %add3A_231 = arith.addi %add3A_220, %add3A_230 : i32
      %sub3A_232 = arith.constant 1 : i32
      %sub3A_233 = arith.subi %add3A_231, %sub3A_232 : i32
      %lt3A_234 = arith.constant 84 : i32
      %lt3A_235 = arith.cmpi slt, %sub3A_233, %lt3A_234 : i32
      %convert_element_type3A_236 = arith.extui %lt3A_235 : i1 to i32
      %cond3A_237 = arith.constant 0 : i32
      %cond3A_238 = arith.cmpi ne, %convert_element_type3A_236, %cond3A_237 : i32
      scf.if %cond3A_238 {
        %gt3A = arith.constant 0 : i32
        %gt3A_239 = arith.cmpi sgt, %add3A_220, %gt3A : i32
        %convert_element_type3A_240 = arith.extui %gt3A_239 : i1 to i32
        %cond3A_241 = arith.constant 0 : i32
        %cond3A_242 = arith.cmpi ne, %convert_element_type3A_240, %cond3A_241 : i32
        scf.if %cond3A_242 {
          %dma_wait3A_265 = arith.constant 0 : i32
          %dma_wait3A_266 = arith.constant 0 : i32
          %dma_wait3A_267 = tpu.memref_slice %arg25[%dma_wait3A_265, %dma_wait3A_266] : memref<10112x128xf32, #tpu.memory_space<vmem_shared>> -> memref<10112x128xf32, #tpu.memory_space<vmem_shared>>
          tpu.wait_indirect_dma semaphore(%arg37 : memref<!tpu.dma_semaphore, #tpu.memory_space<semaphore_mem>>) src(%arg22 : memref<120x128xf32, #tpu.memory_space<vmem>>) dst(%dma_wait3A_267 : memref<10112x128xf32, #tpu.memory_space<vmem_shared>>)
        } else {
        }
        %dma_wait3A_243 = arith.constant 0 : i32
        %dma_wait3A_244 = tpu.memref_slice %arg3[%dma_wait3A_243] : memref<322560xi32, #tpu.memory_space<hbm>> -> memref<120xi32, #tpu.memory_space<hbm>>
        %dma_wait3A_245 = arith.constant 0 : i32
        %dma_wait3A_246 = tpu.memref_slice %arg3[%dma_wait3A_245] : memref<322560xi32, #tpu.memory_space<hbm>> -> memref<120xi32, #tpu.memory_space<hbm>>
        tpu.wait_dma2 semaphore(%arg28 : memref<!tpu.dma_semaphore, #tpu.memory_space<semaphore_mem>>) src(%dma_wait3A_246 : memref<120xi32, #tpu.memory_space<hbm>>) dst(%arg10 : memref<120xi32, #tpu.memory_space<vmem>>)
        %dma_wait3A_247 = arith.constant 0 : i32
        %dma_wait3A_248 = tpu.memref_slice %arg4[%dma_wait3A_247] : memref<322560xi32, #tpu.memory_space<hbm>> -> memref<120xi32, #tpu.memory_space<hbm>>
        %dma_wait3A_249 = arith.constant 0 : i32
        %dma_wait3A_250 = tpu.memref_slice %arg4[%dma_wait3A_249] : memref<322560xi32, #tpu.memory_space<hbm>> -> memref<120xi32, #tpu.memory_space<hbm>>
        tpu.wait_dma2 semaphore(%arg28 : memref<!tpu.dma_semaphore, #tpu.memory_space<semaphore_mem>>) src(%dma_wait3A_250 : memref<120xi32, #tpu.memory_space<hbm>>) dst(%arg16 : memref<120xi32, #tpu.memory_space<vmem>>)
        %dma_start3A_251 = arith.constant 0 : i32
        %dma_start3A_252 = arith.constant 0 : i32
        %dma_start3A_253 = tpu.memref_slice %arg2[%dma_start3A_251, %dma_start3A_252] : memref<10000x128xf32, #tpu.memory_space<hbm>> -> memref<10000x128xf32, #tpu.memory_space<hbm>>
        tpu.enqueue_indirect_dma source(%dma_start3A_253 : memref<10000x128xf32, #tpu.memory_space<hbm>>) target(%arg22 : memref<120x128xf32, #tpu.memory_space<vmem>>) offsets(%arg10 : memref<120xi32, #tpu.memory_space<vmem>>) semaphore(%arg34 : memref<!tpu.dma_semaphore, #tpu.memory_space<semaphore_mem>>)
        %gt3A_254 = arith.constant 0 : i32
        %gt3A_255 = arith.cmpi sgt, %add3A_220, %gt3A_254 : i32
        %sub3A_256 = arith.constant 1 : i32
        %sub3A_257 = arith.subi %add3A_220, %sub3A_256 : i32
        %add3A_258 = arith.constant 6 : i32
        %add3A_259 = arith.addi %sub3A_257, %add3A_258 : i32
        %lt3A_260 = arith.constant 84 : i32
        %lt3A_261 = arith.cmpi slt, %add3A_259, %lt3A_260 : i32
        %and3A = arith.andi %gt3A_255, %lt3A_261 : i1
        %convert_element_type3A_262 = arith.extui %and3A : i1 to i32
        %cond3A_263 = arith.constant 0 : i32
        %cond3A_264 = arith.cmpi ne, %convert_element_type3A_262, %cond3A_263 : i32
        scf.if %cond3A_264 {
          %sub3A_265 = arith.constant 1 : i32
          %sub3A_266 = arith.subi %add3A_220, %sub3A_265 : i32
          %add3A_267 = arith.constant 6 : i32
          %add3A_268 = arith.addi %sub3A_266, %add3A_267 : i32
          %mul3A_269 = arith.constant 120 : i32
          %mul3A_270 = arith.muli %add3A_268, %mul3A_269 : i32
          %add3A_271 = arith.addi %add3A, %mul3A_270 : i32
          %mul3A_272 = arith.constant 120 : i32
          %mul3A_273 = arith.muli %add3A_268, %mul3A_272 : i32
          %add3A_274 = arith.addi %add3A, %mul3A_273 : i32
          %dma_start3A_275 = tpu.memref_slice %arg3[%add3A_271] : memref<322560xi32, #tpu.memory_space<hbm>> -> memref<120xi32, #tpu.memory_space<hbm>>
          %dma_start3A_276 = tpu.memref_slice %arg3[%add3A_271] : memref<322560xi32, #tpu.memory_space<hbm>> -> memref<120xi32, #tpu.memory_space<hbm>>
          tpu.enqueue_dma source(%dma_start3A_276 : memref<120xi32, #tpu.memory_space<hbm>>) target(%arg13 : memref<120xi32, #tpu.memory_space<vmem>>) target_semaphore(%arg31 : memref<!tpu.dma_semaphore, #tpu.memory_space<semaphore_mem>>)
          %dma_start3A_277 = tpu.memref_slice %arg4[%add3A_274] : memref<322560xi32, #tpu.memory_space<hbm>> -> memref<120xi32, #tpu.memory_space<hbm>>
          %dma_start3A_278 = tpu.memref_slice %arg4[%add3A_274] : memref<322560xi32, #tpu.memory_space<hbm>> -> memref<120xi32, #tpu.memory_space<hbm>>
          tpu.enqueue_dma source(%dma_start3A_278 : memref<120xi32, #tpu.memory_space<hbm>>) target(%arg19 : memref<120xi32, #tpu.memory_space<vmem>>) target_semaphore(%arg31 : memref<!tpu.dma_semaphore, #tpu.memory_space<semaphore_mem>>)
        } else {
        }
      } else {
      }
    }
    %scan3A_101 = arith.constant 14 : i32
    %dma_wait3A = arith.constant 0 : i32
    %dma_wait3A_102 = arith.constant 0 : i32
    %dma_wait3A_103 = tpu.memref_slice %arg25[%dma_wait3A, %dma_wait3A_102] : memref<10112x128xf32, #tpu.memory_space<vmem_shared>> -> memref<10112x128xf32, #tpu.memory_space<vmem_shared>>
    tpu.wait_indirect_dma semaphore(%arg38 : memref<!tpu.dma_semaphore, #tpu.memory_space<semaphore_mem>>) src(%arg23 : memref<120x128xf32, #tpu.memory_space<vmem>>) dst(%dma_wait3A_103 : memref<10112x128xf32, #tpu.memory_space<vmem_shared>>)
    %dma_wait3A_104 = arith.constant 0 : i32
    %dma_wait3A_105 = arith.constant 0 : i32
    %dma_wait3A_106 = tpu.memref_slice %arg25[%dma_wait3A_104, %dma_wait3A_105] : memref<10112x128xf32, #tpu.memory_space<vmem_shared>> -> memref<10112x128xf32, #tpu.memory_space<vmem_shared>>
    tpu.wait_indirect_dma semaphore(%arg37 : memref<!tpu.dma_semaphore, #tpu.memory_space<semaphore_mem>>) src(%arg22 : memref<120x128xf32, #tpu.memory_space<vmem>>) dst(%dma_wait3A_106 : memref<10112x128xf32, #tpu.memory_space<vmem_shared>>)
    %dma_wait3A_107 = arith.constant 0 : i32
    %dma_wait3A_108 = arith.constant 0 : i32
    %dma_wait3A_109 = tpu.memref_slice %arg25[%dma_wait3A_107, %dma_wait3A_108] : memref<10112x128xf32, #tpu.memory_space<vmem_shared>> -> memref<10112x128xf32, #tpu.memory_space<vmem_shared>>
    tpu.wait_indirect_dma semaphore(%arg36 : memref<!tpu.dma_semaphore, #tpu.memory_space<semaphore_mem>>) src(%arg21 : memref<120x128xf32, #tpu.memory_space<vmem>>) dst(%dma_wait3A_109 : memref<10112x128xf32, #tpu.memory_space<vmem_shared>>)
    %barrier3A_110 = arith.constant 0 : index
    tpu.barrier barrier_id(%barrier3A_110)
    "tpu.region"() ({
      %run_scoped3A = tpu.sem_alloc : memref<!tpu.dma_semaphore, #tpu.memory_space<semaphore_mem>>
      %dma_start3A_116 = arith.constant 0 : i32
      %dma_start3A_117 = tpu.memref_slice %arg7[%arg0, %mul3A_46, %dma_start3A_116] : memref<2x10112x128xf32, #tpu.memory_space<hbm>> -> memref<1x632x128xf32, #tpu.memory_space<hbm>>
      %dma_start3A_118 = tpu.memref_squeeze %dma_start3A_117 : memref<1x632x128xf32, #tpu.memory_space<hbm>> -> memref<632x128xf32, #tpu.memory_space<hbm>>
      %dma_start3A_119 = arith.constant 0 : i32
      %dma_start3A_120 = tpu.memref_slice %arg25[%mul3A_46, %dma_start3A_119] : memref<10112x128xf32, #tpu.memory_space<vmem_shared>> -> memref<632x128xf32, #tpu.memory_space<vmem_shared>>
      tpu.enqueue_dma source(%dma_start3A_120 : memref<632x128xf32, #tpu.memory_space<vmem_shared>>) target(%dma_start3A_118 : memref<632x128xf32, #tpu.memory_space<hbm>>) target_semaphore(%run_scoped3A : memref<!tpu.dma_semaphore, #tpu.memory_space<semaphore_mem>>)
      %dma_wait3A_121 = arith.constant 0 : i32
      %dma_wait3A_122 = tpu.memref_slice %arg7[%arg0, %mul3A_46, %dma_wait3A_121] : memref<2x10112x128xf32, #tpu.memory_space<hbm>> -> memref<1x632x128xf32, #tpu.memory_space<hbm>>
      %dma_wait3A_123 = tpu.memref_squeeze %dma_wait3A_122 : memref<1x632x128xf32, #tpu.memory_space<hbm>> -> memref<632x128xf32, #tpu.memory_space<hbm>>
      %dma_wait3A_124 = arith.constant 0 : i32
      %dma_wait3A_125 = tpu.memref_slice %arg25[%mul3A_46, %dma_wait3A_124] : memref<10112x128xf32, #tpu.memory_space<vmem_shared>> -> memref<632x128xf32, #tpu.memory_space<vmem_shared>>
      tpu.wait_dma2 semaphore(%run_scoped3A : memref<!tpu.dma_semaphore, #tpu.memory_space<semaphore_mem>>) src(%dma_wait3A_125 : memref<632x128xf32, #tpu.memory_space<vmem_shared>>) dst(%dma_wait3A_123 : memref<632x128xf32, #tpu.memory_space<hbm>>)
      tpu.yield
    }) : () -> ()
    %eq3A_111 = arith.constant 0 : i32
    %eq3A_112 = arith.cmpi eq, %arg1, %eq3A_111 : i32
    %convert_element_type3A_113 = arith.extui %eq3A_112 : i1 to i32
    %cond3A_114 = arith.constant 0 : i32
    %cond3A_115 = arith.cmpi ne, %convert_element_type3A_113, %cond3A_114 : i32
    scf.if %cond3A_115 {
      %mul3A_116 = arith.constant 10112 : i32
      %mul3A_117 = arith.muli %arg0, %mul3A_116 : i32
      "tpu.region"() ({
        %run_scoped3A = tpu.sem_alloc : memref<!tpu.dma_semaphore, #tpu.memory_space<semaphore_mem>>
        %dma_start3A_118 = tpu.memref_slice %arg8[%mul3A_117] : memref<20224xf32, #tpu.memory_space<hbm>> -> memref<10112xf32, #tpu.memory_space<hbm>>
        tpu.enqueue_dma source(%arg26 : memref<10112xf32, #tpu.memory_space<vmem_shared>>) target(%dma_start3A_118 : memref<10112xf32, #tpu.memory_space<hbm>>) target_semaphore(%run_scoped3A : memref<!tpu.dma_semaphore, #tpu.memory_space<semaphore_mem>>)
        %dma_wait3A_119 = tpu.memref_slice %arg8[%mul3A_117] : memref<20224xf32, #tpu.memory_space<hbm>> -> memref<10112xf32, #tpu.memory_space<hbm>>
        tpu.wait_dma2 semaphore(%run_scoped3A : memref<!tpu.dma_semaphore, #tpu.memory_space<semaphore_mem>>) src(%arg26 : memref<10112xf32, #tpu.memory_space<vmem_shared>>) dst(%dma_wait3A_119 : memref<10112xf32, #tpu.memory_space<hbm>>)
        tpu.yield
      }) : () -> ()
    } else {
    }
    return
  }
}

module attributes {stable_mosaic.version = 14 : i64} {
  func.func @_ln_relu_body(%arg0: i32, %arg1: memref<1000x128xf32, #tpu.memory_space<vmem>>, %arg2: memref<1x128xf32, #tpu.memory_space<vmem>>, %arg3: memref<1x128xf32, #tpu.memory_space<vmem>>, %arg4: memref<1000x128xf32, #tpu.memory_space<vmem>>) attributes {dimension_semantics = [#tpu.dimension_semantics<arbitrary>], iteration_bounds = array<i64: 10>, scalar_prefetch = 0 : i64, scratch_operands = 0 : i64, tpu.core_type = #tpu.core_type<tc>, window_params = [{transform_indices = @transform_0, window_bounds = array<i64: 1000, 128>}, {pipeline_mode = #tpu.pipeline_mode<synchronous>, transform_indices = @transform_1, window_bounds = array<i64: 1, 128>}, {pipeline_mode = #tpu.pipeline_mode<synchronous>, transform_indices = @transform_2, window_bounds = array<i64: 1, 128>}, {transform_indices = @transform_3, window_bounds = array<i64: 1000, 128>}]} {
    %get3A = arith.constant 0 : index
    %get3A_0 = arith.constant 0 : index
    %get3A_1 = vector.load %arg1[%get3A, %get3A_0] : memref<1000x128xf32, #tpu.memory_space<vmem>>, vector<1000x128xf32>
    %reduce_sum3A = arith.constant dense<0.000000e+00> : vector<1000xf32>
    %reduce_sum3A_2 = vector.multi_reduction <add>, %get3A_1, %reduce_sum3A [1] : vector<1000x128xf32> to vector<1000xf32>
    %broadcast_in_dim3A = vector.shape_cast %reduce_sum3A_2 : vector<1000xf32> to vector<1000x1xf32>
    %div3A = arith.constant 1.280000e+02 : f32
    %div3A_3 = vector.broadcast %div3A : f32 to vector<1000x1xf32>
    %div3A_4 = arith.divf %broadcast_in_dim3A, %div3A_3 : vector<1000x1xf32>
    %sub3A = vector.broadcast %div3A_4 : vector<1000x1xf32> to vector<1000x128xf32>
    %sub3A_5 = arith.subf %get3A_1, %sub3A : vector<1000x128xf32>
    %integer_pow3A = arith.mulf %sub3A_5, %sub3A_5 : vector<1000x128xf32>
    %reduce_sum3A_6 = arith.constant dense<0.000000e+00> : vector<1000xf32>
    %reduce_sum3A_7 = vector.multi_reduction <add>, %integer_pow3A, %reduce_sum3A_6 [1] : vector<1000x128xf32> to vector<1000xf32>
    %broadcast_in_dim3A_8 = vector.shape_cast %reduce_sum3A_7 : vector<1000xf32> to vector<1000x1xf32>
    %div3A_9 = arith.constant 1.280000e+02 : f32
    %div3A_10 = vector.broadcast %div3A_9 : f32 to vector<1000x1xf32>
    %div3A_11 = arith.divf %broadcast_in_dim3A_8, %div3A_10 : vector<1000x1xf32>
    %sub3A_12 = vector.broadcast %div3A_4 : vector<1000x1xf32> to vector<1000x128xf32>
    %sub3A_13 = arith.subf %get3A_1, %sub3A_12 : vector<1000x128xf32>
    %add3A = arith.constant 9.99999974E-6 : f32
    %add3A_14 = vector.broadcast %add3A : f32 to vector<1000x1xf32>
    %add3A_15 = arith.addf %div3A_11, %add3A_14 : vector<1000x1xf32>
    %rsqrt3A = math.rsqrt %add3A_15 : vector<1000x1xf32>
    %mul3A = vector.broadcast %rsqrt3A : vector<1000x1xf32> to vector<1000x128xf32>
    %mul3A_16 = arith.mulf %sub3A_13, %mul3A : vector<1000x128xf32>
    %get3A_17 = arith.constant 0 : index
    %get3A_18 = arith.constant 0 : index
    %get3A_19 = vector.load %arg2[%get3A_17, %get3A_18] : memref<1x128xf32, #tpu.memory_space<vmem>>, vector<1x128xf32>
    %mul3A_20 = vector.broadcast %get3A_19 : vector<1x128xf32> to vector<1000x128xf32>
    %mul3A_21 = arith.mulf %mul3A_16, %mul3A_20 : vector<1000x128xf32>
    %get3A_22 = arith.constant 0 : index
    %get3A_23 = arith.constant 0 : index
    %get3A_24 = vector.load %arg3[%get3A_22, %get3A_23] : memref<1x128xf32, #tpu.memory_space<vmem>>, vector<1x128xf32>
    %add3A_25 = vector.broadcast %get3A_24 : vector<1x128xf32> to vector<1000x128xf32>
    %add3A_26 = arith.addf %mul3A_21, %add3A_25 : vector<1000x128xf32>
    %max3A = arith.constant 0.000000e+00 : f32
    %max3A_27 = vector.broadcast %max3A : f32 to vector<1000x128xf32>
    %max3A_28 = arith.maximumf %add3A_26, %max3A_27 : vector<1000x128xf32>
    %swap3A = arith.constant 0 : index
    %swap3A_29 = arith.constant 0 : index
    %swap3A_30 = vector.load %arg4[%swap3A, %swap3A_29] : memref<1000x128xf32, #tpu.memory_space<vmem>>, vector<1000x128xf32>
    tpu.vector_store %arg4[%swap3A, %swap3A_29], %max3A_28 {strides = array<i32>} : memref<1000x128xf32, #tpu.memory_space<vmem>>, vector<1000x128xf32>,
    return
  }
  func.func @transform_0(%arg0: i32) -> (i32, i32) {
    %c0_i32 = arith.constant 0 : i32
    %c0_i32_0 = arith.constant 0 : i32
    return %arg0, %c0_i32 : i32, i32
  }
  func.func @transform_1(%arg0: i32) -> (i32, i32) {
    %c0_i32 = arith.constant 0 : i32
    %c0_i32_0 = arith.constant 0 : i32
    %c0_i32_1 = arith.constant 0 : i32
    return %c0_i32, %c0_i32_0 : i32, i32
  }
  func.func @transform_2(%arg0: i32) -> (i32, i32) {
    %c0_i32 = arith.constant 0 : i32
    %c0_i32_0 = arith.constant 0 : i32
    %c0_i32_1 = arith.constant 0 : i32
    return %c0_i32, %c0_i32_0 : i32, i32
  }
  func.func @transform_3(%arg0: i32) -> (i32, i32) {
    %c0_i32 = arith.constant 0 : i32
    %c0_i32_0 = arith.constant 0 : i32
    return %arg0, %c0_i32 : i32, i32
  }
}

module attributes {stable_mosaic.version = 14 : i64} {
  func.func @_combine_body(%arg0: i32, %arg1: memref<2x1000x128xf32, #tpu.memory_space<vmem>>, %arg2: memref<2x1000x1xf32, #tpu.memory_space<vmem>>, %arg3: memref<1000x128xf32, #tpu.memory_space<vmem>>, %arg4: memref<128x128xf32, #tpu.memory_space<vmem>>, %arg5: memref<1x128xf32, #tpu.memory_space<vmem>>, %arg6: memref<128x128xf32, #tpu.memory_space<vmem>>, %arg7: memref<1000x128xf32, #tpu.memory_space<vmem>>) attributes {dimension_semantics = [#tpu.dimension_semantics<arbitrary>], iteration_bounds = array<i64: 10>, scalar_prefetch = 0 : i64, scratch_operands = 0 : i64, tpu.core_type = #tpu.core_type<tc>, window_params = [{transform_indices = @transform_0, window_bounds = array<i64: 2, 1000, 128>}, {transform_indices = @transform_1, window_bounds = array<i64: 2, 1000, 1>}, {transform_indices = @transform_2, window_bounds = array<i64: 1000, 128>}, {pipeline_mode = #tpu.pipeline_mode<synchronous>, transform_indices = @transform_3, window_bounds = array<i64: 128, 128>}, {pipeline_mode = #tpu.pipeline_mode<synchronous>, transform_indices = @transform_4, window_bounds = array<i64: 1, 128>}, {pipeline_mode = #tpu.pipeline_mode<synchronous>, transform_indices = @transform_5, window_bounds = array<i64: 128, 128>}, {transform_indices = @transform_6, window_bounds = array<i64: 1000, 128>}]} {
    %get3A = arith.constant 0 : index
    %get3A_0 = arith.constant 0 : index
    %get3A_1 = arith.constant 0 : index
    %get3A_2 = vector.load %arg1[%get3A, %get3A_0, %get3A_1] : memref<2x1000x128xf32, #tpu.memory_space<vmem>>, vector<2x1000x128xf32>
    %slice3A = vector.extract_strided_slice %get3A_2 {offsets = [0, 0, 0], sizes = [1, 1000, 128], strides = [1, 1, 1]} : vector<2x1000x128xf32> to vector<1x1000x128xf32>
    %squeeze3A = vector.shape_cast %slice3A : vector<1x1000x128xf32> to vector<1000x128xf32>
    %slice3A_3 = vector.extract_strided_slice %get3A_2 {offsets = [1, 0, 0], sizes = [1, 1000, 128], strides = [1, 1, 1]} : vector<2x1000x128xf32> to vector<1x1000x128xf32>
    %squeeze3A_4 = vector.shape_cast %slice3A_3 : vector<1x1000x128xf32> to vector<1000x128xf32>
    %add3A = arith.addf %squeeze3A, %squeeze3A_4 : vector<1000x128xf32>
    %get3A_5 = arith.constant 0 : index
    %get3A_6 = arith.constant 0 : index
    %get3A_7 = arith.constant 0 : index
    %get3A_8 = vector.load %arg2[%get3A_5, %get3A_6, %get3A_7] : memref<2x1000x1xf32, #tpu.memory_space<vmem>>, vector<2x1000x1xf32>
    %slice3A_9 = vector.extract_strided_slice %get3A_8 {offsets = [0, 0, 0], sizes = [1, 1000, 1], strides = [1, 1, 1]} : vector<2x1000x1xf32> to vector<1x1000x1xf32>
    %squeeze3A_10 = vector.shape_cast %slice3A_9 : vector<1x1000x1xf32> to vector<1000x1xf32>
    %slice3A_11 = vector.extract_strided_slice %get3A_8 {offsets = [1, 0, 0], sizes = [1, 1000, 1], strides = [1, 1, 1]} : vector<2x1000x1xf32> to vector<1x1000x1xf32>
    %squeeze3A_12 = vector.shape_cast %slice3A_11 : vector<1x1000x1xf32> to vector<1000x1xf32>
    %add3A_13 = arith.addf %squeeze3A_10, %squeeze3A_12 : vector<1000x1xf32>
    %max3A = arith.constant 1.000000e+00 : f32
    %max3A_14 = vector.broadcast %max3A : f32 to vector<1000x1xf32>
    %max3A_15 = arith.maximumf %add3A_13, %max3A_14 : vector<1000x1xf32>
    %div3A = vector.broadcast %max3A_15 : vector<1000x1xf32> to vector<1000x128xf32>
    %div3A_16 = arith.divf %add3A, %div3A : vector<1000x128xf32>
    %get3A_17 = arith.constant 0 : index
    %get3A_18 = arith.constant 0 : index
    %get3A_19 = vector.load %arg4[%get3A_17, %get3A_18] : memref<128x128xf32, #tpu.memory_space<vmem>>, vector<128x128xf32>
    %dot_general3A = arith.constant dense<0.000000e+00> : vector<1000x128xf32>
    %dot_general3A_20 = tpu.matmul %div3A_16, %get3A_19, %dot_general3A {dimension_numbers = #tpu.dot_dimension_numbers<[1], [1], [0], [0], [0, 0, 1, 0], [], []>, precision = #tpu.contract_precision<fp32>, transpose_lhs_hint = false} : vector<1000x128xf32>, vector<128x128xf32>, vector<1000x128xf32> -> vector<1000x128xf32>
    %get3A_21 = arith.constant 0 : index
    %get3A_22 = arith.constant 0 : index
    %get3A_23 = vector.load %arg3[%get3A_21, %get3A_22] : memref<1000x128xf32, #tpu.memory_space<vmem>>, vector<1000x128xf32>
    %get3A_24 = arith.constant 0 : index
    %get3A_25 = arith.constant 0 : index
    %get3A_26 = vector.load %arg6[%get3A_24, %get3A_25] : memref<128x128xf32, #tpu.memory_space<vmem>>, vector<128x128xf32>
    %dot_general3A_27 = arith.constant dense<0.000000e+00> : vector<1000x128xf32>
    %dot_general3A_28 = tpu.matmul %get3A_23, %get3A_26, %dot_general3A_27 {dimension_numbers = #tpu.dot_dimension_numbers<[1], [1], [0], [0], [0, 0, 1, 0], [], []>, precision = #tpu.contract_precision<fp32>, transpose_lhs_hint = false} : vector<1000x128xf32>, vector<128x128xf32>, vector<1000x128xf32> -> vector<1000x128xf32>
    %add3A_29 = arith.addf %dot_general3A_20, %dot_general3A_28 : vector<1000x128xf32>
    %get3A_30 = arith.constant 0 : index
    %get3A_31 = arith.constant 0 : index
    %get3A_32 = vector.load %arg5[%get3A_30, %get3A_31] : memref<1x128xf32, #tpu.memory_space<vmem>>, vector<1x128xf32>
    %add3A_33 = vector.broadcast %get3A_32 : vector<1x128xf32> to vector<1000x128xf32>
    %add3A_34 = arith.addf %add3A_29, %add3A_33 : vector<1000x128xf32>
    %swap3A = arith.constant 0 : index
    %swap3A_35 = arith.constant 0 : index
    %swap3A_36 = vector.load %arg7[%swap3A, %swap3A_35] : memref<1000x128xf32, #tpu.memory_space<vmem>>, vector<1000x128xf32>
    tpu.vector_store %arg7[%swap3A, %swap3A_35], %add3A_34 {strides = array<i32>} : memref<1000x128xf32, #tpu.memory_space<vmem>>, vector<1000x128xf32>,
    return
  }
  func.func @transform_0(%arg0: i32) -> (i32, i32, i32) {
    %c0_i32 = arith.constant 0 : i32
    %c0_i32_0 = arith.constant 0 : i32
    %c0_i32_1 = arith.constant 0 : i32
    return %c0_i32, %arg0, %c0_i32_0 : i32, i32, i32
  }
  func.func @transform_1(%arg0: i32) -> (i32, i32, i32) {
    %c0_i32 = arith.constant 0 : i32
    %c0_i32_0 = arith.constant 0 : i32
    %c0_i32_1 = arith.constant 0 : i32
    return %c0_i32, %arg0, %c0_i32_0 : i32, i32, i32
  }
  func.func @transform_2(%arg0: i32) -> (i32, i32) {
    %c0_i32 = arith.constant 0 : i32
    %c0_i32_0 = arith.constant 0 : i32
    return %arg0, %c0_i32 : i32, i32
  }
  func.func @transform_3(%arg0: i32) -> (i32, i32) {
    %c0_i32 = arith.constant 0 : i32
    %c0_i32_0 = arith.constant 0 : i32
    %c0_i32_1 = arith.constant 0 : i32
    return %c0_i32, %c0_i32_0 : i32, i32
  }
  func.func @transform_4(%arg0: i32) -> (i32, i32) {
    %c0_i32 = arith.constant 0 : i32
    %c0_i32_0 = arith.constant 0 : i32
    %c0_i32_1 = arith.constant 0 : i32
    return %c0_i32, %c0_i32_0 : i32, i32
  }
  func.func @transform_5(%arg0: i32) -> (i32, i32) {
    %c0_i32 = arith.constant 0 : i32
    %c0_i32_0 = arith.constant 0 : i32
    %c0_i32_1 = arith.constant 0 : i32
    return %c0_i32, %c0_i32_0 : i32, i32
  }
  func.func @transform_6(%arg0: i32) -> (i32, i32) {
    %c0_i32 = arith.constant 0 : i32
    %c0_i32_0 = arith.constant 0 : i32
    return %arg0, %c0_i32 : i32, i32
  }
}

</mosaic_0001>

<sc_bundles>
// kernel: kernel.5.cloned.1.call-start
scs
__scs_entry_jumppad:
0x0: {  	(pc) =	sbr.rel $0x88, $3  }
0x1: {  	(tag) =	ssettag $0x0;
	lr =	simm.s32 $0x1  }
0x2: {  	[smem:$0x3F9A] =	sst lr;
	_ =	strace $0xD0000000  }
0x3: {  	_ = 	snop  }
0x4: {  	_ = 	snop  }
0x5: {  	_ = 	snop  }
0x6: {  	_ = 	snop  }
0x7: {  	_ = 	snop  }
__scs_overlays_trampoline_lowered:
0x8: {  	[smem:$0x3FA9] =	sst s0  }
0x9: {  	[smem:$0x3FAA] =	sst s1  }
0xa: {  	[smem:$0x3FAB] =	sst s2  }
0xb: {  	[smem:$0x3FAC] =	sst s3  }
0xc: {  	[smem:$0x3FAD] =	sst s4  }
0xd: {  	[smem:$0x3FAE] =	sst s5  }
0xe: {  	[smem:$0x3FAF] =	sst s6  }
0xf: {  	[smem:$0x3FB0] =	sst s7  }
0x10: {  	[smem:$0x3FB1] =	sst s8  }
0x11: {  	[smem:$0x3FB2] =	sst s9;
	s0 =	simm.s32 @!p0 $0x0  }
0x12: {  	s1 =	sld [smem:$0x3F98];
	s0 =	simm.s32 @p0 $0x1  }
0x13: {  	[smem:$0x3FB3] =	sst s0;
	s0 =	simm.s32 @!p1 $0x0  }
0x14: {  	s2 =	sld [smem:$0x3F97];
	s0 =	simm.s32 @p1 $0x1  }
0x15: {  	[smem:$0x3FB4] =	sst s0;
	s0 =	simm.s32 @!p2 $0x0  }
0x16: {  	s3 =	sld [smem:$0x3FDB];
	s0 =	simm.s32 @p2 $0x1  }
0x17: {  	s4 =	simm.s32 $0x1BF5;
	[smem:$0x3FB6] =	sst s0  }
0x18: {  	s0 =	sld [smem:$0x3F99];
	_ =	swait.ge [sflag:s4], $0x0  }
0x19: {  	s7 =	sld [smem:$0x3F9A]  }
0x1a: {  	s8 =	sadd.s32 $0xFFFFE003, lr  }
0x1b: {  	s9 =	sadd.s32 $0xFFFFFEF7, lr;
	s5 =	simm.s32 $0xFFFFFFFF;
	p2 =	slt.u32 s8, $0xFFFFF086  }
0x1c: {  	p1 =	slt.u32 s9, $0xF7A;
	s5 =	simm.s32 @!p2 $0x0  }
0x1d: {  	s5 =	simm.s32 @p1 $0x1;
	p0 =	seq.s32 s7, s2  }
0x1e: {  	s7 =	smul.u32 @!p0 $0xF7A, s2;
	p2 =	seq.s32 @!p0 s5, $0x0  }
0x1f: {  	s9 =	smul.u32 $0xF7A, s1;
	s8 =	simm.s32 @!p0 $0x1BF5;
	p2 =	por !p2, p0  }
0x20: {  	[sflag:s8] =	ssyncset.s32 @!p0 $0xFFFFF086;
	s6 =	sadd.s32 @!p0 s3, s7;
	s7 =	simm.s32 @!p0 $0x108  }
0x21: {  	s3 =	sadd.s32 s3, s9;
	s6 =	sadd.s32 @!p0 $0x88, s6;
	s7 =	simm.s32 @p2 $0x1082  }
0x22: {  	[simem:s7], [sflag:s8] =	dma.local @!p0 [hbm:s6], $0xF7A  }
0x23: {  	s9 =	sor.u32 $0xD0000000, s2;
	s6 =	simm.s32 $0x108;
	_ =	swait.ge @!p0 [sflag:s8], $0x0  }
0x24: {  	s3 =	sadd.s32 $0x88, s3;
	s6 =	simm.s32 @!p1 $0x1082;
	[sflag:s4] =	ssyncset.s32 $0xFFFFF086  }
0x25: {  	[simem:s6], [sflag:s4] =	dma.local [hbm:s3], $0xF7A  }
0x26: {  	[smem:$0x3F9A] =	sst s1;
	(tag) =	ssettag s2;
	_ =	strace s9  }
0x27: {  	s1 =	sld [smem:$0x3FAA]  }
0x28: {  	s2 =	sld [smem:$0x3FAB]  }
0x29: {  	s4 =	sld [smem:$0x3FAD]  }
0x2a: {  	p0 =	seq.s32 s5, $0x0;
	s5 =	sld [smem:$0x3FAE]  }
0x2b: {  	s6 =	sld [smem:$0x3FAF]  }
0x2c: {  	s7 =	sld [smem:$0x3FB0]  }
0x2d: {  	s3 =	simm.s32 $0x108;
	s8 =	sld [smem:$0x3FB1]  }
0x2e: {  	s3 =	simm.s32 @!p0 $0x1082;
	s9 =	sld [smem:$0x3FB2]  }
0x2f: {  	lr =	sadd.s32 s0, s3;
	s0 =	sld [smem:$0x3FA9]  }
0x30: {  	s3 =	sld [smem:$0x3FAC]  }
0x31: {  	[smem:$0x3FB5] =	sst s10  }
0x32: {  	s10 =	sld [smem:$0x3FB3];
	_ =	sdelay $0x3  }
0x33: {  	p0 =	seq.s32 s10, $0x1;
	s10 =	sld [smem:$0x3FB5];
	_ =	sdelay $0x3  }
0x34: {  	[smem:$0x3FB5] =	sst s10  }
0x35: {  	s10 =	sld [smem:$0x3FB4];
	_ =	sdelay $0x3  }
0x36: {  	p1 =	seq.s32 s10, $0x1;
	s10 =	sld [smem:$0x3FB5];
	_ =	sdelay $0x3  }
0x37: {  	[smem:$0x3FB5] =	sst s10  }
0x38: {  	s10 =	sld [smem:$0x3FB6]  }
0x39: {  	_ = 	snop;
	(pc) =	sbr.ind lr, $3  }
0x3a: {  	_ = 	snop  }
0x3b: {  	_ = 	snop  }
0x3c: {  	p2 =	seq.s32 s10, $0x1;
	s10 =	sld [smem:$0x3FB5]  }
0x3d: {  	_ =	shalt  }
0x3e: {  	_ =	shalt  }
0x3f: {  	_ =	shalt  }
0x40: {  	_ =	shalt  }
0x41: {  	_ =	shalt  }
0x42: {  	_ =	shalt  }
0x43: {  	_ =	shalt  }
0x44: {  	_ =	shalt  }
0x45: {  	_ =	shalt  }
0x46: {  	_ =	shalt  }
0x47: {  	_ =	shalt  }
0x48: {  	_ =	shalt  }
0x49: {  	_ =	shalt  }
0x4a: {  	_ =	shalt  }
0x4b: {  	_ =	shalt  }
0x4c: {  	_ =	shalt  }
0x4d: {  	_ =	shalt  }
0x4e: {  	_ =	shalt  }
0x4f: {  	_ =	shalt  }
0x50: {  	_ =	shalt  }
0x51: {  	_ =	shalt  }
0x52: {  	_ =	shalt  }
0x53: {  	_ =	shalt  }
0x54: {  	_ =	shalt  }
0x55: {  	_ =	shalt  }
0x56: {  	_ =	shalt  }
0x57: {  	_ =	shalt  }
0x58: {  	_ =	shalt  }
0x59: {  	_ =	shalt  }
0x5a: {  	_ =	shalt  }
0x5b: {  	_ =	shalt  }
0x5c: {  	_ =	shalt  }
0x5d: {  	_ =	shalt  }
0x5e: {  	_ =	shalt  }
0x5f: {  	_ =	shalt  }
0x60: {  	_ =	shalt  }
0x61: {  	_ =	shalt  }
0x62: {  	_ =	shalt  }
0x63: {  	_ =	shalt  }
0x64: {  	_ =	shalt  }
0x65: {  	_ =	shalt  }
0x66: {  	_ =	shalt  }
0x67: {  	_ =	shalt  }
0x68: {  	_ =	shalt  }
0x69: {  	_ =	shalt  }
0x6a: {  	_ =	shalt  }
0x6b: {  	_ =	shalt  }
0x6c: {  	_ =	shalt  }
0x6d: {  	_ =	shalt  }
0x6e: {  	_ =	shalt  }
0x6f: {  	_ =	shalt  }
0x70: {  	_ =	shalt  }
0x71: {  	_ =	shalt  }
0x72: {  	_ =	shalt  }
0x73: {  	_ =	shalt  }
0x74: {  	_ =	shalt  }
0x75: {  	_ =	shalt  }
0x76: {  	_ =	shalt  }
0x77: {  	_ =	shalt  }
0x78: {  	_ =	shalt  }
0x79: {  	_ =	shalt  }
0x7a: {  	_ =	shalt  }
0x7b: {  	_ =	shalt  }
0x7c: {  	_ =	shalt  }
0x7d: {  	_ =	shalt  }
0x7e: {  	_ =	shalt  }
0x7f: {  	_ =	shalt  }
0x80: {  	_ =	shalt  }
0x81: {  	_ =	shalt  }
0x82: {  	_ =	shalt  }
0x83: {  	_ =	shalt  }
0x84: {  	_ =	shalt  }
0x85: {  	_ =	shalt  }
0x86: {  	_ =	shalt  }
0x87: {  	_ =	shalt  }
.Lfunc_end0:
.L_simem_size_0:
called_computation_lowered:
.L_overlay_start_0:
0x88: {  	s2 =	sld [smem:$0x3FD9]  }
0x89: {  	s3 =	sld [smem:$0x3FFE];
	_ =	sdelay $0x1  }
0x8a: {  	s1 =	srdreg.scid  }
0x8b: {  	s0 =	sand.u32 $0x1, s1  }
0x8c: {  	s17 =	sshll.u32 s0, $0xA;
	s2 =	sadd.s32 s3, s2  }
0x8d: {  	s2 =	sadd.s32 s2, s17  }
0x8e: {  	[smem:$0x3FC1] =	sst s2  }
0x8f: {  	_ = 	snop  }
0x90: {  	s2 =	sld [smem:$0x3FD0];
	(tm) =	ssettm $0x1  }
0x91: {  	s18 =	sld [smem:$0x3FFB];
	_ =	sdelay $0x3  }
0x92: {  	_ =	strace s18  }
0x93: {  	s3 =	sld [smem:$0x3FFC];
	_ =	sdelay $0x3  }
0x94: {  	_ =	strace s3  }
0x95: {  	s3 =	sld [smem:$0x3FFD];
	_ =	sdelay $0x3  }
0x96: {  	_ =	strace s3  }
0x97: {  	_ =	strace $0x8FFFFFFF  }
0x98: {  	s19 =	sld [smem:$0x3FDB];
	_ =	sdelay $0x1  }
0x99: {  	s4 =	simm.s32 $_scs_section_size  }
0x9a: {  	s5 =	simm.s32 $_size__tile_overlayer_lowered;
	s6 =	simm.s32 $_tile_overlayer_lowered  }
0x9b: {  	s22 =	simm.s32 $0x1BFF;
	s21 =	sshll.u32 s6, $0x1;
	s3 =	sadd.s32 s4, s19  }
0x9c: {  	s7 =	simm.s32 $0x0;
	s20 =	sshll.u32 s5, $0x1;
	s5 =	sadd.s32 s21, s3  }
0x9d: {  	[timem:s7], [sflag:s22] =	dma.local [hbm:s5], s20  }
0x9e: {  	_ =	swait.ge [sflag:s22], s20  }
0x9f: {  	s4 =	ssub.s32 $0x0, s20;
	[sflag:s22] =	ssyncset.done $0x0  }
0xa0: {  	[sflag:s22] =	ssyncadd.s32 s4;
	_ =	sdelay $0x1  }
0xa1: {  	s23 =	simm.s32 $0x1B8B  }
0xa2: {  	_ =	swait.ge [sflag:s23], $0x1  }
0xa3: {  	[sflag:s23] =	ssyncset.done $0x0  }
0xa4: {  	s25 =	simm.s32 $0x1B8E;
	s24 =	sld [smem:$0x3FFE];
	[sflag:s23] =	ssyncadd.s32 $0xFFFFFFFF  }
0xa5: {  	s26 =	simm.s32 $execute0_lowered;
	[smem:$0x3FD2] =	sst s25  }
0xa6: {  	s5 =	sshll.u32 s26, $0x1;
	_ =	strace $0x80000046;
	[dreg:$0x1] =	wrdreg $0xFFFFFFFF  }
0xa7: {  	s28 =	simm.s32 $_size_execute0_lowered;
	s3 =	sadd.s32 s3, s5;
	[dreg:$0x0] =	wrdreg $0x0  }
0xa8: {  	s5 =	sshll.u32 s28, $0x1;
	[dreg:$0x2] =	wrdreg s3  }
0xa9: {  	[dreg:$0x3] =	wrdreg s5  }
0xaa: {  	[dreg:$0x4] =	wrdreg $0xC0  }
0xab: {  	_ =	task [dreg:s7], $0x5FFFF  }
0xac: {  	[dreg:$0x1] =	wrdreg $0xFFFFFFFF  }
0xad: {  	[dreg:$0x0] =	wrdreg $0x60  }
0xae: {  	[dreg:$0x2] =	wrdreg s2  }
0xaf: {  	[dreg:$0x3] =	wrdreg s24  }
0xb0: {  	[dreg:$0x4] =	wrdreg $0xBA800  }
0xb1: {  	[dreg:$0x5] =	wrdreg $0x1F6800  }
0xb2: {  	[dreg:$0x6] =	wrdreg $0x9  }
0xb3: {  	_ =	task.clear_ibuf [dreg:s7], $0x7FFFF;
	_ =	strace $0x90000046  }
0xb4: {  	s29 =	simm.s32 $0x9;
	_ =	strace $0x80000048  }
0xb5: {  	_ =	swait.ge [sflag:s29], $0x1  }
0xb6: {  	[sflag:s29] =	ssyncadd.s32 $0xFFFFFFFF  }
0xb7: {  	_ =	strace $0x90000048  }
0xb8: {  	_ =	sfence  }
0xb9: {  	s30 =	sld [smem:$0x0];
	_ =	sdelay $0x2  }
0xba: {  	s31 =	sshll.u32 s1, $0xD;
	s1 =	sshrl.u32 s1, $0x2  }
0xbb: {  	s3 =	sand.u32 $0x4000, s31;
	s1 =	sadd.s32 s1, s30  }
0xbc: {  	s0 =	sor.u32 s3, s0;
	s1 =	sshll.u32 s1, $0x11  }
0xbd: {  	s0 =	sor.u32 s1, s0  }
0xbe: {  	s0 =	sadd.s32 $0x8F2B, s0  }
0xbf: {  	[sflag:s0] =	ssyncadd.remote.s32 $0x1  }
0xc0: {  	_ =	sfence.sel $0xFFFF  }
0xc1: {  	[dreg:$0x0] =	wrdreg $0xFFFFFFFF;
	(pc) =	sbr.abs _section_cstart, $3  }
0xc2: {  	[dreg:$0x1] =	wrdreg $0xFFFFFFFF  }
0xc3: {  	_ =	task.clear_ibuf [dreg:s7], $0x2FFFF;
	_ =	strace $0x9FFFFFFF  }
0xc4: {  	(tm) =	ssettm $0x7FFFFFFF  }
0xc5: {  	_ =	shalt  }
tec
execute0_lowered:
.L_overlay_start_1:
0x0: {  	(tag) =	ssettag $0x1  }
0x1: {  	s1 =	rddreg [dreg:$0x0]  }
0x2: {  	s0 =	rddreg [dreg:$0x1]  }
0x3: {  	s2 =	rddreg [dreg:$0x2]  }
0x4: {  	s3 =	rddreg [dreg:$0x3];
	s5 =	simm.s32 $0x0;
	s4 =	srdreg.scid  }
0x5: {  	[smem:$0x7FF] =	sst s5;
	s4 =	sand.u32 $0x1, s4  }
0x6: {  	s28 =	simm.s32 $0x5;
	s5 =	stileid.u32;
	s6 =	smul.u32 $0x13C000, s4  }
0x7: {  	s29 =	simm.s32 $0x2;
	s11 =	sadd.s32 $0xB600, s0;
	s7 =	smul.u32 $0x13C00, s5  }
0x8: {  	s9 =	sadd.s32 $0x15A00, s0;
	s13 =	sadd.s32 $0x15400, s0;
	s8 =	smul.u32 $0x4F0, s4  }
0x9: {  	_ =	strace $0x80000047;
	[dreg:$0x7] =	wrdreg s9;
	s31 =	smul.u32 $0x4F000, s5  }
0xa: {  	s12 =	sadd.s32 $0x1800, s0;
	[dreg:$0x8] =	wrdreg s13;
	s14 =	smul.u32 $0x27600, s4  }
0xb: {  	s4 =	ssub.s32 $0x2, s4;
	s10 =	smul.u32 $0x2760, s5;
	[dreg:$0x6] =	wrdreg s12  }
0xc: {  	s16 =	sshll.u32 s5, $0x6;
	p0 =	sne.s32 s5, $0x0;
	[dreg:$0x5] =	wrdreg s11  }
0xd: {  	s15 =	sshrl.u32 s4, $0x1;
	s22 =	sor.u32 $0x1C0D, s16;
	s6 =	sadd.s32 s7, s6  }
0xe: {  	s7 =	sshrl.u32 s31, $0x2;
	s4 =	ssub.s32 s4, s15;
	s9 =	sadd.s32 s10, s14  }
0xf: {  	[dreg:$0xa] =	wrdreg s22;
	s6 =	sshrl.u32 s6, $0x3;
	s7 =	sadd.s32 s7, s2  }
0x10: {  	s17 =	sshrl.u32 s9, $0x3;
	s10 =	sadd.s32 $0x78, s9;
	s23 =	sadd.s32 $0x168, s9  }
0x11: {  	s31 =	sadd.s32 $0x258, s9;
	s16 =	sadd.s32 $0x4B0, s9;
	s4 =	smax.u32 s4, $0x1  }
0x12: {  	s6 =	sadd.s32 s6, s0;
	s0 =	sadd.s32 s8, s0;
	[dreg:$0x9] =	wrdreg s7  }
0x13: {  	s18 =	sadd.s32 s11, s17;
	s19 =	sshrl.u32 s10, $0x3;
	[dreg:$0x19] =	wrdreg s4  }
0x14: {  	s20 =	sadd.s32 s12, s17;
	s24 =	sadd.s32 $0x1E, s17;
	[dreg:$0xb] =	wrdreg s18  }
0x15: {  	s10 =	sshrl.u32 s23, $0x3;
	[dreg:$0xc] =	wrdreg s20;
	s21 =	sadd.s32 s11, s19  }
0x16: {  	s30 =	sadd.s32 $0x3C, s17;
	s7 =	sadd.s32 s12, s19;
	[dreg:$0xd] =	wrdreg s21  }
0x17: {  	s17 =	sadd.s32 $0x438, s9;
	s13 =	sadd.s32 s11, s24;
	[dreg:$0xe] =	wrdreg s7  }
0x18: {  	s8 =	simm.s32 $0x0;
	s25 =	sadd.s32 s11, s10;
	[dreg:$0xf] =	wrdreg s13  }
0x19: {  	s26 =	sadd.s32 s12, s10;
	s10 =	sadd.s32 s11, s30;
	[dreg:$0x11] =	wrdreg s25  }
0x1a: {  	s15 =	sadd.s32 $0x18C00, s6;
	s0 =	sadd.s32 $0x18200, s0;
	[dreg:$0x12] =	wrdreg s26  }
0x1b: {  	s19 =	sshrl.u32 s17, $0x3;
	s20 =	sadd.s32 $0x3C0, s9;
	[dreg:$0x13] =	wrdreg s10  }
0x1c: {  	s17 =	simm.s32 $0x480;
	s6 =	simm.s32 $0x7E00;
	[dreg:$0x17] =	wrdreg s15  }
0x1d: {  	s7 =	sadd.s32 s12, s24;
	s13 =	sshrl.u32 s31, $0x3;
	[dreg:$0x18] =	wrdreg s0  }
0x1e: {  	s0 =	sshrl.u32 s16, $0x3;
	s4 =	sadd.s32 s19, s12;
	s21 =	sadd.s32 $0x348, s9  }
0x1f: {  	s23 =	sshrl.u32 s20, $0x3;
	s31 =	sadd.s32 $0x2D0, s9;
	[dreg:$0x10] =	wrdreg s7  }
0x20: {  	s15 =	simm.s32 $0x400;
	s9 =	simm.s32 $0x4200;
	[dreg:$0x1c] =	wrdreg s4  }
0x21: {  	s10 =	simm.s32 $0x7;
	s7 =	sadd.s32 s12, s30;
	[smem:$0x7FD] =	sst s31  }
0x22: {  	s16 =	simm.s32 $0xA;
	s14 =	sadd.s32 s11, s13;
	[dreg:$0x14] =	wrdreg s7  }
0x23: {  	s20 =	simm.s32 $0x4;
	s5 =	sadd.s32 s12, s13;
	[dreg:$0x15] =	wrdreg s14  }
0x24: {  	s18 =	sadd.s32 s0, s12;
	s0 =	sadd.s32 s0, s11;
	[dreg:$0x16] =	wrdreg s5  }
0x25: {  	s24 =	sshrl.u32 s21, $0x3;
	s25 =	sadd.s32 s23, s12;
	[dreg:$0x1a] =	wrdreg s18  }
0x26: {  	s13 =	simm.s32 $0x8;
	s4 =	simm.s32 $0xC;
	[dreg:$0x1b] =	wrdreg s0  }
0x27: {  	s21 =	simm.s32 $0x6;
	s0 =	sadd.s32 s19, s11;
	[dreg:$0x1e] =	wrdreg s25  }
0x28: {  	s26 =	sadd.s32 s24, s12;
	s30 =	sadd.s32 s24, s11;
	s12 =	simm.s32 $0x300  }
.Ltmp0:
0x29: {  	s14 =	simm.s32 $0x380;
	s18 =	simm.s32 $0x200;
	(pc) =	sbr.rel .LBB2_1-.Ltmp0, $4  }
0x2a: {  	s24 =	simm.s32 $0x78;
	s25 =	simm.s32 $0x600;
	[dreg:$0x1d] =	wrdreg s0  }
0x2b: {  	s19 =	simm.s32 $0xBA00;
	s5 =	simm.s32 $0x9;
	[smem:$0x7FB] =	sst s26  }
0x2c: {  	s0 =	sadd.s32 s23, s11;
	[smem:$0x7FC] =	sst s30;
	s11 =	simm.s32 $0xD  }
0x2d: {  	v0 =	vimm.f32 $1.000000000e+00;
	s23 =	simm.s32 $0x580;
	s26 =	simm.s32 $0xB;
	[dreg:$0x1f] =	wrdreg s0  }
.LBB2_4:
0x2e: {  	_ =	swait.ge [sflag:s4], $0x3C00  }
0x2f: {  	[sflag:s4] =	ssyncset.done $0x0  }
0x30: {  	[sflag:s4] =	ssyncadd.s32 $0xFFFFC400  }
0x31: {  	_ =	swait.ge [sflag:s26], $0x3C00  }
0x32: {  	[sflag:s26] =	ssyncset.done $0x0  }
0x33: {  	[sflag:s26] =	ssyncadd.s32 $0xFFFFC400  }
0x34: {  	_ =	swait.ge [sflag:s16], $0x3C00  }
0x35: {  	[sflag:s16] =	ssyncset.done $0x0  }
0x36: {  	[sflag:s16] =	ssyncadd.s32 $0xFFFFC400  }
0x37: {  	[bflag:$0x0] =	sbarrier.arrive $0xFFFF  }
0x38: {  	s7 =	sld [smem:$0x7F9]  }
0x39: {  	s22 =	rddreg [dreg:$0xa]  }
0x3a: {  	s0 =	rddreg [dreg:$0x17]  }
0x3b: {  	[hbm:s0], [sflag:s22] =	dma.local [spmem:s7], $0x2780  }
0x3c: {  	_ =	swait.ge [sflag:s11], $0x2780  }
0x3d: {  	s7 =	sld [smem:$0x7FA]  }
0x3e: {  	[sflag:s11] =	ssyncset.done $0x0  }
0x3f: {  	s0 =	rddreg [dreg:$0x18];
	[sflag:s11] =	ssyncadd.s32 $0xFFFFD880  }
0x40: {  	[hbm:s0], [sflag:s22] =	dma.local @!p0 [spmem:s7], $0x4F0  }
0x41: {  	s0 =	simm.s32 @!p0 $0xD  }
0x42: {  	_ =	swait.ge @!p0 [sflag:s0], $0x4F0  }
0x43: {  	s8 =	sld [smem:$0x7F8];
	_ =	sdelay $0x2  }
0x44: {  	s31 =	rddreg [dreg:$0x19];
	s8 =	sadd.s32 $0x1, s8  }
0x45: {  	p1 =	sne.s32 s8, s31  }
.Ltmp1:
0x46: {  	_ = 	snop;
	(pc) =	sbr.rel @!p1 .LBB2_5-.Ltmp1, $3  }
0x47: {  	_ =	sdelay $0x1  }
0x48: {  	[sflag:s0] =	ssyncset.done @!p0 $0x0  }
0x49: {  	[sflag:s0] =	ssyncadd.s32 @!p0 $0xFFFFFB10  }
.LBB2_1:
0x4a: {  	[tilespmem:$0xBA00] =	vst v0  }
0x4b: {  	[tilespmem:$0xBA10] =	vst v0  }
0x4c: {  	[tilespmem:$0xBA20] =	vst v0  }
0x4d: {  	[tilespmem:$0xBA30] =	vst v0  }
0x4e: {  	[smem:$0x7F8] =	sst s8;
	[tilespmem:$0xBA40] =	vst v0  }
0x4f: {  	[tilespmem:$0xBA50] =	vst v0;
	s0 =	rddreg [dreg:$0x9]  }
0x50: {  	[tilespmem:$0xBA60] =	vst v0;
	s8 =	rddreg [dreg:$0x7];
	s7 =	sshrl.u32 s0, $0x3  }
0x51: {  	[tilespmem:$0xBA68] =	vst v0;
	[smem:$0x7F9] =	sst s7  }
0x52: {  	[spmem:s7], [sflag:s22] =	dma.local [hbm:s8], $0x2780  }
0x53: {  	_ =	swait.ge [sflag:s11], $0x2780  }
0x54: {  	s7 =	sshrl.u32 @!p0 s3, $0x3;
	[sflag:s11] =	ssyncset.done $0x0;
	s0 =	rddreg [dreg:$0x8]  }
0x55: {  	[smem:$0x7FA] =	sst s7;
	[sflag:s11] =	ssyncadd.s32 $0xFFFFD880  }
0x56: {  	[spmem:s7], [sflag:s22] =	dma.local @!p0 [hbm:s0], $0x4F0  }
0x57: {  	s22 =	simm.s32 @!p0 $0xD  }
0x58: {  	_ =	swait.ge @!p0 [sflag:s22], $0x4F0  }
0x59: {  	[sflag:s22] =	ssyncset.done @!p0 $0x0  }
0x5a: {  	[sflag:s22] =	ssyncadd.s32 @!p0 $0xFFFFFB10  }
0x5b: {  	[bflag:$0x0] =	sbarrier.arrive $0xFFFF  }
0x5c: {  	s0 =	simm.s32 $0x0;
	s31 =	rddreg [dreg:$0xb]  }
0x5d: {  	[tilespmem:s0], [sflag:$0xD] =	stream.linear.gather [hbm4b:s31+s0], $0x78, $0x38;
	[tilespmem:$0x1F8F8] =	vst v63  }
0x5e: {  	_ =	swait.ge [sflag:s11], $0x78  }
0x5f: {  	[sflag:s11] =	ssyncset.done $0x0  }
0x60: {  	s8 =	rddreg [dreg:$0xc];
	[sflag:s11] =	ssyncadd.s32 $0xFFFFFF88  }
0x61: {  	[tilespmem:s12], [sflag:$0xD] =	stream.linear.gather [hbm4b:s8+s0], $0x78, $0x38;
	[tilespmem:$0x1F8F8] =	vst v63  }
0x62: {  	_ =	swait.ge [sflag:s11], $0x78  }
0x63: {  	[sflag:s11] =	ssyncset.done $0x0  }
0x64: {  	s8 =	simm.s32 $0x80;
	s22 =	rddreg [dreg:$0xd];
	[sflag:s11] =	ssyncadd.s32 $0xFFFFFF88  }
0x65: {  	[tilespmem:s8], [sflag:$0xD] =	stream.linear.gather [hbm4b:s22+s0], $0x78, $0x38;
	[tilespmem:$0x1F8F8] =	vst v63  }
0x66: {  	_ =	swait.ge [sflag:s11], $0x78  }
0x67: {  	[sflag:s11] =	ssyncset.done $0x0  }
0x68: {  	s31 =	rddreg [dreg:$0xe];
	[sflag:s11] =	ssyncadd.s32 $0xFFFFFF88  }
0x69: {  	[tilespmem:s14], [sflag:$0xD] =	stream.linear.gather [hbm4b:s31+s0], $0x78, $0x38;
	[tilespmem:$0x1F8F8] =	vst v63  }
0x6a: {  	_ =	swait.ge [sflag:s11], $0x78  }
0x6b: {  	[sflag:s11] =	ssyncset.done $0x0  }
0x6c: {  	s31 =	simm.s32 $0x100;
	s22 =	rddreg [dreg:$0xf];
	[sflag:s11] =	ssyncadd.s32 $0xFFFFFF88  }
0x6d: {  	[tilespmem:s31], [sflag:$0x3] =	stream.linear.gather [hbm4b:s22+s0], $0x78, $0x38;
	[tilespmem:$0x1F8F8] =	vst v63  }
0x6e: {  	s31 =	rddreg [dreg:$0x10]  }
0x6f: {  	[tilespmem:s15], [sflag:$0x3] =	stream.linear.gather [hbm4b:s31+s0], $0x78, $0x38;
	[tilespmem:$0x1F8F8] =	vst v63  }
0x70: {  	s22 =	rddreg [dreg:$0x11];
	s31 =	simm.s32 $0x180  }
0x71: {  	[tilespmem:s31], [sflag:$0x4] =	stream.linear.gather [hbm4b:s22+s0], $0x78, $0x38;
	[tilespmem:$0x1F8F8] =	vst v63  }
0x72: {  	s22 =	rddreg [dreg:$0x12]  }
0x73: {  	[tilespmem:s17], [sflag:$0x4] =	stream.linear.gather [hbm4b:s22+s0], $0x78, $0x38;
	[tilespmem:$0x1F8F8] =	vst v63  }
0x74: {  	s31 =	rddreg [dreg:$0x13]  }
0x75: {  	[tilespmem:s18], [sflag:$0x5] =	stream.linear.gather [hbm4b:s31+s0], $0x78, $0x38;
	[tilespmem:$0x1F8F8] =	vst v63  }
0x76: {  	s22 =	rddreg [dreg:$0x14];
	s31 =	simm.s32 $0x500  }
0x77: {  	[tilespmem:s31], [sflag:$0x5] =	stream.linear.gather [hbm4b:s22+s0], $0x78, $0x38;
	[tilespmem:$0x1F8F8] =	vst v63  }
0x78: {  	s22 =	rddreg [dreg:$0x15];
	s31 =	simm.s32 $0x280  }
0x79: {  	[tilespmem:s31], [sflag:$0x6] =	stream.linear.gather [hbm4b:s22+s0], $0x78, $0x38;
	[tilespmem:$0x1F8F8] =	vst v63  }
0x7a: {  	s31 =	rddreg [dreg:$0x16]  }
0x7b: {  	[tilespmem:s23], [sflag:$0x6] =	stream.linear.gather [hbm4b:s31+s0], $0x78, $0x38;
	[tilespmem:$0x1F8F8] =	vst v63  }
0x7c: {  	_ = 	snop  }
0x7d: {  	[tilespmem:s25], [sflag:$0x7] =	stream.indirect.gather [hbm4b:s1+s24], $0x80, s0, s24, $0xb8;
	[tilespmem:$0x1F8F8] =	vst v63  }
0x7e: {  	s30 =	simm.s32 $0x0;
	s22 =	sld [smem:$0x7FD]  }
0x7f: {  	[tilespmem:s9], [sflag:$0x8] =	stream.indirect.gather [hbm4b:s1+s24], $0x80, s8, s24, $0xb8;
	[tilespmem:$0x1F8F8] =	vst v63  }
.LBB2_2:
0x80: {  	_ =	swait.ge [sflag:s10], $0x3C00  }
0x81: {  	[sflag:s10] =	ssyncset.done $0x0  }
0x82: {  	[sflag:s10] =	ssyncadd.s32 $0xFFFFC400  }
0x83: {  	[spmem:s2] =	stream.indirect.scatter.add.f32 [tilespmem:s25], [sflag:$0xA], $0x80, s12, s24, $0xb8;
	[tilespmem:$0x1F8F8] =	vst v63  }
0x84: {  	_ = 	snop  }
0x85: {  	[spmem:s3] =	stream.indirect.scatter.add.f32 [tilespmem:s19], [sflag:$0xD], $0x1, s12, s24, $0xb8;
	[tilespmem:$0x1F8F8] =	vst v63  }
0x86: {  	_ =	swait.ge [sflag:s11], $0x78  }
0x87: {  	p1 =	seq.s32 s30, $0x0;
	[sflag:s11] =	ssyncset.done $0x0  }
0x88: {  	s31 =	simm.s32 @p1 $0x3;
	[sflag:s11] =	ssyncadd.s32 $0xFFFFFF88  }
0x89: {  	_ =	swait.ge @p1 [sflag:s31], $0x78  }
0x8a: {  	[sflag:s31] =	ssyncset.done @p1 $0x0  }
0x8b: {  	[sflag:s31] =	ssyncadd.s32 @p1 $0xFFFFFF88  }
0x8c: {  	_ =	swait.ge @p1 [sflag:s31], $0x78  }
0x8d: {  	s0 =	simm.s32 @p1 $0x100;
	[sflag:s31] =	ssyncset.done @p1 $0x0  }
0x8e: {  	s7 =	simm.s32 @p1 $0x7E00;
	[sflag:s31] =	ssyncadd.s32 @p1 $0xFFFFFF88;
	s31 =	simm.s32 @p1 $0x78  }
0x8f: {  	[tilespmem:s7], [sflag:$0x9] =	stream.indirect.gather @p1 [hbm4b:s1+s31], $0x80, s0, s31, $0xb8;
	[tilespmem:$0x1F8F8] =	vst v63  }
0x90: {  	s0 =	simm.s32 @!p1 $0xC  }
0x91: {  	_ =	swait.ge @!p1 [sflag:s0], $0x3C00  }
0x92: {  	[sflag:s0] =	ssyncset.done @!p1 $0x0  }
0x93: {  	[sflag:s0] =	ssyncadd.s32 @!p1 $0xFFFFC400;
	s0 =	simm.s32 @!p1 $0x3  }
0x94: {  	_ =	swait.ge @!p1 [sflag:s0], $0x78  }
0x95: {  	[sflag:s0] =	ssyncset.done @!p1 $0x0  }
0x96: {  	[sflag:s0] =	ssyncadd.s32 @!p1 $0xFFFFFF88  }
0x97: {  	_ =	swait.ge @!p1 [sflag:s0], $0x78  }
0x98: {  	s7 =	simm.s32 @!p1 $0x100;
	[sflag:s0] =	ssyncset.done @!p1 $0x0  }
0x99: {  	s31 =	simm.s32 @!p1 $0x7E00;
	[sflag:s0] =	ssyncadd.s32 @!p1 $0xFFFFFF88;
	s0 =	simm.s32 @!p1 $0x78  }
0x9a: {  	[tilespmem:s31], [sflag:$0x9] =	stream.indirect.gather @!p1 [hbm4b:s1+s0], $0x80, s7, s0, $0xb8;
	[tilespmem:$0x1F8F8] =	vst v63  }
0x9b: {  	s0 =	rddreg [dreg:$0x15]  }
0x9c: {  	s7 =	simm.s32 @!p1 $0x0;
	s31 =	simm.s32 @!p1 $0x280;
	s0 =	sadd.s32 @!p1 s30, s0  }
0x9d: {  	[tilespmem:s31], [sflag:$0x6] =	stream.linear.gather @!p1 [hbm4b:s0+s7], $0x78, $0x38;
	[tilespmem:$0x1F8F8] =	vst v63  }
0x9e: {  	s0 =	rddreg [dreg:$0x16]  }
0x9f: {  	s31 =	simm.s32 @!p1 $0x580;
	s0 =	sadd.s32 @!p1 s30, s0  }
0xa0: {  	[tilespmem:s31], [sflag:$0x6] =	stream.linear.gather @!p1 [hbm4b:s0+s7], $0x78, $0x38;
	[tilespmem:$0x1F8F8] =	vst v63  }
0xa1: {  	_ =	swait.ge [sflag:s13], $0x3C00  }
0xa2: {  	[sflag:s13] =	ssyncset.done $0x0  }
0xa3: {  	[sflag:s13] =	ssyncadd.s32 $0xFFFFC400  }
0xa4: {  	[spmem:s2] =	stream.indirect.scatter.add.f32 [tilespmem:s9], [sflag:$0xB], $0x80, s14, s24, $0xb8;
	[tilespmem:$0x1F8F8] =	vst v63  }
0xa5: {  	_ = 	snop  }
0xa6: {  	[spmem:s3] =	stream.indirect.scatter.add.f32 [tilespmem:s19], [sflag:$0xD], $0x1, s14, s24, $0xb8;
	[tilespmem:$0x1F8F8] =	vst v63  }
0xa7: {  	_ =	swait.ge [sflag:s11], $0x78  }
0xa8: {  	[sflag:s11] =	ssyncset.done $0x0  }
0xa9: {  	[sflag:s11] =	ssyncadd.s32 $0xFFFFFF88  }
0xaa: {  	_ =	swait.ge [sflag:s16], $0x3C00  }
0xab: {  	[sflag:s16] =	ssyncset.done $0x0  }
0xac: {  	[sflag:s16] =	ssyncadd.s32 $0xFFFFC400  }
0xad: {  	_ =	swait.ge [sflag:s20], $0x78  }
0xae: {  	[sflag:s20] =	ssyncset.done $0x0  }
0xaf: {  	[sflag:s20] =	ssyncadd.s32 $0xFFFFFF88  }
0xb0: {  	_ =	swait.ge [sflag:s20], $0x78  }
0xb1: {  	[sflag:s20] =	ssyncset.done $0x0  }
0xb2: {  	s7 =	simm.s32 $0x180;
	p1 =	seq.s32 s30, $0x492;
	[sflag:s20] =	ssyncadd.s32 $0xFFFFFF88  }
0xb3: {  	[tilespmem:s25], [sflag:$0x7] =	stream.indirect.gather [hbm4b:s1+s24], $0x80, s7, s24, $0xb8;
	[tilespmem:$0x1F8F8] =	vst v63  }
0xb4: {  	s0 =	sshrl.u32 @!p1 s22, $0x3;
	s7 =	rddreg [dreg:$0x5]  }
0xb5: {  	s31 =	simm.s32 @!p1 $0x0;
	s7 =	sadd.s32 @!p1 s7, s0  }
0xb6: {  	[tilespmem:s31], [sflag:$0x1] =	stream.linear.gather @!p1 [hbm4b:s7+s31], $0x78, $0x38;
	[tilespmem:$0x1F8F8] =	vst v63  }
0xb7: {  	s7 =	rddreg [dreg:$0x6]  }
0xb8: {  	s0 =	sadd.s32 @!p1 s7, s0;
	s7 =	simm.s32 @!p1 $0x300  }
0xb9: {  	[tilespmem:s7], [sflag:$0x1] =	stream.linear.gather @!p1 [hbm4b:s0+s31], $0x78, $0x38;
	[tilespmem:$0x1F8F8] =	vst v63  }
0xba: {  	_ =	swait.ge [sflag:s5], $0x3C00  }
0xbb: {  	[sflag:s5] =	ssyncset.done $0x0  }
0xbc: {  	[sflag:s5] =	ssyncadd.s32 $0xFFFFC400  }
0xbd: {  	[spmem:s2] =	stream.indirect.scatter.add.f32 [tilespmem:s6], [sflag:$0xC], $0x80, s15, s24, $0xb8;
	[tilespmem:$0x1F8F8] =	vst v63  }
0xbe: {  	_ = 	snop  }
0xbf: {  	[spmem:s3] =	stream.indirect.scatter.add.f32 [tilespmem:s19], [sflag:$0xD], $0x1, s15, s24, $0xb8;
	[tilespmem:$0x1F8F8] =	vst v63  }
0xc0: {  	_ =	swait.ge [sflag:s11], $0x78  }
0xc1: {  	[sflag:s11] =	ssyncset.done $0x0  }
0xc2: {  	[sflag:s11] =	ssyncadd.s32 $0xFFFFFF88  }
0xc3: {  	_ =	swait.ge [sflag:s26], $0x3C00  }
0xc4: {  	[sflag:s26] =	ssyncset.done $0x0  }
0xc5: {  	[sflag:s26] =	ssyncadd.s32 $0xFFFFC400  }
0xc6: {  	_ =	swait.ge [sflag:s28], $0x78  }
0xc7: {  	[sflag:s28] =	ssyncset.done $0x0  }
0xc8: {  	[sflag:s28] =	ssyncadd.s32 $0xFFFFFF88  }
0xc9: {  	_ =	swait.ge [sflag:s28], $0x78  }
0xca: {  	[sflag:s28] =	ssyncset.done $0x0;
	s0 =	sld [smem:$0x7FC]  }
0xcb: {  	[sflag:s28] =	ssyncadd.s32 $0xFFFFFF88  }
0xcc: {  	[tilespmem:s9], [sflag:$0x8] =	stream.indirect.gather [hbm4b:s1+s24], $0x80, s18, s24, $0xb8;
	[tilespmem:$0x1F8F8] =	vst v63  }
0xcd: {  	s7 =	simm.s32 @!p1 $0x80;
	s0 =	sadd.s32 @!p1 s30, s0  }
0xce: {  	[tilespmem:s7], [sflag:$0x2] =	stream.linear.gather @!p1 [hbm4b:s0+s31], $0x78, $0x38;
	[tilespmem:$0x1F8F8] =	vst v63  }
0xcf: {  	s0 =	sld [smem:$0x7FB];
	_ =	sdelay $0x2  }
0xd0: {  	s7 =	simm.s32 @!p1 $0x380;
	s0 =	sadd.s32 @!p1 s30, s0  }
0xd1: {  	[tilespmem:s7], [sflag:$0x2] =	stream.linear.gather @!p1 [hbm4b:s0+s31], $0x78, $0x38;
	[tilespmem:$0x1F8F8] =	vst v63  }
0xd2: {  	_ =	swait.ge [sflag:s10], $0x3C00  }
0xd3: {  	[sflag:s10] =	ssyncset.done $0x0  }
0xd4: {  	[sflag:s10] =	ssyncadd.s32 $0xFFFFC400  }
0xd5: {  	[spmem:s2] =	stream.indirect.scatter.add.f32 [tilespmem:s25], [sflag:$0xA], $0x80, s17, s24, $0xb8;
	[tilespmem:$0x1F8F8] =	vst v63  }
0xd6: {  	_ = 	snop  }
0xd7: {  	[spmem:s3] =	stream.indirect.scatter.add.f32 [tilespmem:s19], [sflag:$0xD], $0x1, s17, s24, $0xb8;
	[tilespmem:$0x1F8F8] =	vst v63  }
0xd8: {  	_ =	swait.ge [sflag:s11], $0x78  }
0xd9: {  	[sflag:s11] =	ssyncset.done $0x0  }
0xda: {  	[sflag:s11] =	ssyncadd.s32 $0xFFFFFF88  }
0xdb: {  	_ =	swait.ge [sflag:s4], $0x3C00  }
0xdc: {  	[sflag:s4] =	ssyncset.done $0x0  }
0xdd: {  	[sflag:s4] =	ssyncadd.s32 $0xFFFFC400  }
0xde: {  	_ =	swait.ge [sflag:s21], $0x78  }
0xdf: {  	[sflag:s21] =	ssyncset.done $0x0  }
0xe0: {  	[sflag:s21] =	ssyncadd.s32 $0xFFFFFF88  }
0xe1: {  	_ =	swait.ge [sflag:s21], $0x78  }
0xe2: {  	[sflag:s21] =	ssyncset.done $0x0  }
0xe3: {  	s8 =	simm.s32 $0x280;
	s0 =	simm.s32 @p1 $0x8;
	[sflag:s21] =	ssyncadd.s32 $0xFFFFFF88  }
0xe4: {  	[tilespmem:s6], [sflag:$0x9] =	stream.indirect.gather [hbm4b:s1+s24], $0x80, s8, s24, $0xb8;
	[tilespmem:$0x1F8F8] =	vst v63  }
0xe5: {  	_ =	swait.ge @p1 [sflag:s0], $0x3C00  }
0xe6: {  	s7 =	simm.s32 @p1 $0x500;
	[sflag:s0] =	ssyncset.done @p1 $0x0  }
0xe7: {  	s8 =	simm.s32 @p1 $0x4200;
	[sflag:s0] =	ssyncadd.s32 @p1 $0xFFFFC400;
	s0 =	simm.s32 @p1 $0x78  }
0xe8: {  	[spmem:s2] =	stream.indirect.scatter.add.f32 @p1 [tilespmem:s8], [sflag:$0xB], $0x80, s7, s0, $0xb8;
	[tilespmem:$0x1F8F8] =	vst v63  }
0xe9: {  	s8 =	simm.s32 @p1 $0xBA00  }
0xea: {  	[spmem:s3] =	stream.indirect.scatter.add.f32 @p1 [tilespmem:s8], [sflag:$0xD], $0x1, s7, s0, $0xb8;
	[tilespmem:$0x1F8F8] =	vst v63  }
0xeb: {  	s0 =	simm.s32 @p1 $0xD  }
0xec: {  	_ =	swait.ge @p1 [sflag:s0], $0x78  }
0xed: {  	[sflag:s0] =	ssyncset.done @p1 $0x0  }
0xee: {  	[sflag:s0] =	ssyncadd.s32 @p1 $0xFFFFFF88;
	s0 =	rddreg [dreg:$0x1f]  }
0xef: {  	s7 =	simm.s32 @!p1 $0x100;
	s0 =	sadd.s32 @!p1 s30, s0  }
0xf0: {  	[tilespmem:s7], [sflag:$0x3] =	stream.linear.gather @!p1 [hbm4b:s0+s31], $0x78, $0x38;
	[tilespmem:$0x1F8F8] =	vst v63  }
0xf1: {  	s0 =	rddreg [dreg:$0x1e]  }
0xf2: {  	s7 =	simm.s32 @!p1 $0x400;
	s0 =	sadd.s32 @!p1 s30, s0  }
0xf3: {  	[tilespmem:s7], [sflag:$0x3] =	stream.linear.gather @!p1 [hbm4b:s0+s31], $0x78, $0x38;
	[tilespmem:$0x1F8F8] =	vst v63  }
0xf4: {  	s0 =	simm.s32 @!p1 $0x8  }
0xf5: {  	_ =	swait.ge @!p1 [sflag:s0], $0x3C00  }
0xf6: {  	s8 =	simm.s32 @!p1 $0x4200;
	[sflag:s0] =	ssyncset.done @!p1 $0x0  }
0xf7: {  	s7 =	simm.s32 @!p1 $0x500;
	[sflag:s0] =	ssyncadd.s32 @!p1 $0xFFFFC400;
	s0 =	simm.s32 @!p1 $0x78  }
0xf8: {  	[spmem:s2] =	stream.indirect.scatter.add.f32 @!p1 [tilespmem:s8], [sflag:$0xB], $0x80, s7, s0, $0xb8;
	[tilespmem:$0x1F8F8] =	vst v63  }
0xf9: {  	s8 =	simm.s32 @!p1 $0xBA00  }
0xfa: {  	[spmem:s3] =	stream.indirect.scatter.add.f32 @!p1 [tilespmem:s8], [sflag:$0xD], $0x1, s7, s0, $0xb8;
	[tilespmem:$0x1F8F8] =	vst v63  }
0xfb: {  	s7 =	simm.s32 @!p1 $0xD  }
0xfc: {  	_ =	swait.ge @!p1 [sflag:s7], $0x78  }
0xfd: {  	[sflag:s7] =	ssyncset.done @!p1 $0x0  }
0xfe: {  	[sflag:s7] =	ssyncadd.s32 @!p1 $0xFFFFFF88;
	s7 =	simm.s32 @!p1 $0xA  }
0xff: {  	_ =	swait.ge @!p1 [sflag:s7], $0x3C00  }
0x100: {  	[sflag:s7] =	ssyncset.done @!p1 $0x0  }
0x101: {  	[sflag:s7] =	ssyncadd.s32 @!p1 $0xFFFFC400;
	s7 =	simm.s32 @!p1 $0x1  }
0x102: {  	_ =	swait.ge @!p1 [sflag:s7], $0x78  }
0x103: {  	[sflag:s7] =	ssyncset.done @!p1 $0x0  }
0x104: {  	[sflag:s7] =	ssyncadd.s32 @!p1 $0xFFFFFF88  }
0x105: {  	_ =	swait.ge @!p1 [sflag:s7], $0x78  }
0x106: {  	[sflag:s7] =	ssyncset.done @!p1 $0x0  }
0x107: {  	[sflag:s7] =	ssyncadd.s32 @!p1 $0xFFFFFF88;
	s7 =	simm.s32 @!p1 $0x600  }
0x108: {  	[tilespmem:s7], [sflag:$0x7] =	stream.indirect.gather @!p1 [hbm4b:s1+s0], $0x80, s31, s0, $0xb8;
	[tilespmem:$0x1F8F8] =	vst v63  }
0x109: {  	s0 =	rddreg [dreg:$0x1d]  }
0x10a: {  	s7 =	simm.s32 @!p1 $0x180;
	s0 =	sadd.s32 @!p1 s30, s0  }
0x10b: {  	[tilespmem:s7], [sflag:$0x4] =	stream.linear.gather @!p1 [hbm4b:s0+s31], $0x78, $0x38;
	[tilespmem:$0x1F8F8] =	vst v63  }
0x10c: {  	s0 =	rddreg [dreg:$0x1c]  }
0x10d: {  	s7 =	simm.s32 @!p1 $0x480;
	s0 =	sadd.s32 @!p1 s30, s0  }
0x10e: {  	[tilespmem:s7], [sflag:$0x4] =	stream.linear.gather @!p1 [hbm4b:s0+s31], $0x78, $0x38;
	[tilespmem:$0x1F8F8] =	vst v63  }
0x10f: {  	_ =	swait.ge [sflag:s5], $0x3C00  }
0x110: {  	[sflag:s5] =	ssyncset.done $0x0  }
0x111: {  	[sflag:s5] =	ssyncadd.s32 $0xFFFFC400  }
0x112: {  	[spmem:s2] =	stream.indirect.scatter.add.f32 [tilespmem:s6], [sflag:$0xC], $0x80, s23, s24, $0xb8;
	[tilespmem:$0x1F8F8] =	vst v63  }
.Ltmp2:
0x113: {  	_ = 	snop;
	(pc) =	sbr.rel @p1 .LBB2_4-.Ltmp2, $4  }
0x114: {  	[spmem:s3] =	stream.indirect.scatter.add.f32 [tilespmem:s19], [sflag:$0xD], $0x1, s23, s24, $0xb8;
	[tilespmem:$0x1F8F8] =	vst v63  }
0x115: {  	_ =	swait.ge [sflag:s11], $0x78  }
0x116: {  	[sflag:s11] =	ssyncset.done $0x0  }
0x117: {  	[sflag:s11] =	ssyncadd.s32 $0xFFFFFF88  }
0x118: {  	_ =	swait.ge [sflag:s26], $0x3C00  }
0x119: {  	[sflag:s26] =	ssyncset.done $0x0  }
0x11a: {  	[sflag:s26] =	ssyncadd.s32 $0xFFFFC400  }
0x11b: {  	_ =	swait.ge [sflag:s29], $0x78  }
0x11c: {  	[sflag:s29] =	ssyncset.done $0x0  }
0x11d: {  	[sflag:s29] =	ssyncadd.s32 $0xFFFFFF88  }
0x11e: {  	_ =	swait.ge [sflag:s29], $0x78  }
0x11f: {  	[sflag:s29] =	ssyncset.done $0x0  }
0x120: {  	s0 =	simm.s32 $0x80;
	[sflag:s29] =	ssyncadd.s32 $0xFFFFFF88  }
0x121: {  	[tilespmem:s9], [sflag:$0x8] =	stream.indirect.gather [hbm4b:s1+s24], $0x80, s0, s24, $0xb8;
	[tilespmem:$0x1F8F8] =	vst v63  }
.Ltmp3:
0x122: {  	s7 =	simm.s32 $0x0;
	s8 =	rddreg [dreg:$0x1b];
	(pc) =	sbr.rel .LBB2_2-.Ltmp3, $4  }
0x123: {  	s22 =	sadd.s32 $0x2D0, s22;
	s31 =	rddreg [dreg:$0x1a];
	s0 =	sadd.s32 s30, s8  }
0x124: {  	[tilespmem:s18], [sflag:$0x5] =	stream.linear.gather [hbm4b:s0+s7], $0x78, $0x38;
	[tilespmem:$0x1F8F8] =	vst v63  }
0x125: {  	s8 =	simm.s32 $0x500;
	s0 =	sadd.s32 s30, s31;
	s30 =	sadd.s32 $0x5A, s30  }
0x126: {  	[tilespmem:s8], [sflag:$0x5] =	stream.linear.gather [hbm4b:s0+s7], $0x78, $0x38;
	[tilespmem:$0x1F8F8] =	vst v63  }
.LBB2_5:
0x127: {  	_ =	sfence.sel $0x180000  }
0x128: {  	[bflag:$0x0] =	sbarrier.arrive $0xFFFF  }
0x129: {  	_ =	strace $0x90000047  }
0x12a: {  	[bflag:$0x2] =	sbarrier.arrive $0xFFFF  }
0x12b: {  	s0 =	rddreg [dreg:$0x4]  }
0x12c: {  	s0 =	sadd.s32 @!p0 $0x100000, s0  }
0x12d: {  	[sflag:s0] =	ssyncadd.tile.s32 @!p0 $0x1;
	_ =	shalt  }
.Lfunc_end2:
_tile_overlayer_lowered:
.L_overlay_start_2:
0x12e: {  	(tag) =	ssettag $0x2  }
0x12f: {  	s0 =	rddreg [dreg:$0x0];
	s2 =	stileid.u32  }
0x130: {  	s1 =	rddreg [dreg:$0x1];
	p0 =	sne.s32 s2, $0x0  }
0x131: {  	s3 =	rddreg [dreg:$0x2];
	[bflag:$0x3] =	sbarrier.arrive $0xFFFF;
	s2 =	simm.s32 @!p0 $0x1C0D  }
0x132: {  	[timem:s3], [sflag:s2] =	dma.local @!p0 [hbm:s0], s1  }
0x133: {  	s0 =	simm.s32 @!p0 $0xD  }
0x134: {  	_ =	swait.ge @!p0 [sflag:s0], s1  }
0x135: {  	s1 =	ssub.s32 @!p0 $0x0, s1;
	[sflag:s0] =	ssyncset.done @!p0 $0x0  }
0x136: {  	[sflag:s0] =	ssyncadd.s32 @!p0 s1  }
0x137: {  	[bflag:$0x3] =	sbarrier.arrive $0xFFFF  }
0x138: {  	_ =	shalt  }

</sc_bundles>
